<compile_context>
chip_gen: v7x
topology: tpu7x:2x2x1
jax: 0.10.2.dev20260603
libtpu: 0.0.44.dev20260713+nightly
codegen_flags: <defaults>
</compile_context>

<pallas_src>
import functools

import jax
import jax.numpy as jnp
from jax import lax
from jax.experimental import pallas as pl
from jax.experimental.pallas import tpu as pltpu
from jax.experimental.pallas import tpu_sc as plsc

VOCAB = 1000
EMBED = 64
B = 4096
L = 50
VPAD = 1024

NC = 2
NS = 16
NW = NC * NS
BW = B // NW
LANES = 16


def _body(idx_hbm, wt_hbm, out_hbm, table_v, idx_v, buf0, buf1, sem0, sem1):
    wid = lax.axis_index("s") * NC + lax.axis_index("c")
    b0 = wid * BW
    pltpu.async_copy(wt_hbm, table_v, sem0)
    pltpu.async_copy(idx_hbm.at[:, pl.ds(b0, BW)], idx_v, sem1)
    pltpu.make_async_copy(wt_hbm, table_v, sem0).wait()
    pltpu.make_async_copy(idx_hbm.at[:, pl.ds(b0, BW)], idx_v, sem1).wait()

    bufs = (buf0, buf1)
    sems = (sem0, sem1)

    def owait(k):
        pltpu.make_async_copy(
            bufs[k], out_hbm.at[pl.ds(0, 2 * EMBED), pl.ds(b0, BW)], sems[k]
        ).wait()

    def ostart(p, k):
        pltpu.async_copy(
            bufs[k],
            out_hbm.at[pl.ds(p * 2 * EMBED, 2 * EMBED), pl.ds(b0, BW)],
            sems[k],
        )

    def fill(l, buf, half):
        idxs = tuple(idx_v[l, pl.ds(g * LANES, LANES)]
                     for g in range(BW // LANES))
        row0 = half * EMBED

        @plsc.parallel_loop(0, EMBED, unroll=4, carry=idxs)
        def e_body(e, idxs):
            off = e * VPAD
            for g in range(BW // LANES):
                v = plsc.load_gather(table_v, [idxs[g] + off])
                buf[row0 + e, pl.ds(g * LANES, LANES)] = v
            return idxs

    def duo(r, carry):
        for k in range(2):
            p = 2 * r + k

            @pl.when(r > 0)
            def _():
                owait(k)

            fill(2 * p, bufs[k], 0)
            fill(2 * p + 1, bufs[k], 1)
            ostart(p, k)
        return carry

    lax.fori_loop(0, L // 4, duo, 0)
    owait(0)
    fill(48, bufs[0], 0)
    fill(49, bufs[0], 1)
    ostart(24, 0)
    owait(0)
    owait(1)


@functools.partial(
    pl.kernel,
    out_type=jax.ShapeDtypeStruct((L * EMBED, B), jnp.float32),
    mesh=plsc.VectorSubcoreMesh(core_axis_name="c", subcore_axis_name="s"),
    scratch_types=[
        pltpu.VMEM((EMBED * VPAD,), jnp.float32),
        pltpu.VMEM((L, BW), jnp.int32),
        pltpu.VMEM((2 * EMBED, BW), jnp.float32),
        pltpu.VMEM((2 * EMBED, BW), jnp.float32),
        pltpu.SemaphoreType.DMA,
        pltpu.SemaphoreType.DMA,
    ],
    compiler_params=pltpu.CompilerParams(use_tc_tiling_on_sc=True,
                                         needs_layout_passes=False),
)
def _gather_kernel(idx_hbm, wt_hbm, out_hbm, table_v, idx_v, buf0, buf1,
                   sem0, sem1):
    _body(idx_hbm, wt_hbm, out_hbm, table_v, idx_v, buf0, buf1, sem0, sem1)


def kernel(indices, W):
    idx_t = indices.T
    wt = jnp.pad(W.T, ((0, 0), (0, VPAD - VOCAB)))
    wt_flat = wt.reshape(EMBED * VPAD)
    out2 = _gather_kernel(idx_t, wt_flat)
    return out2.reshape(L, EMBED, B).transpose(2, 0, 1)

# --- scband reference (transcript-rebuilt; emitter-appended) ---
"""Pipeline reference for scband-syll-embeddings-2499670966742 (READ-ONLY COPY).

The authoritative reference and input builder live on the scoring server;
editing this copy changes nothing except your own understanding.
"""

import jax, jax.numpy as jnp
import numpy as np

VOCAB = 1000
EMBED = 64
B = 4096
L = 50
PAD_IDX = 0

def setup_inputs(seed: int = 0) -> dict:
    key = jax.random.key(seed)
    k1, k2 = jax.random.split(key)
    indices = jax.random.randint(k1, (B, L), 0, 990, dtype=jnp.int32)
    W = jax.random.normal(k2, (VOCAB, EMBED), dtype=jnp.float32)
    # nn.Embedding with padding_idx zero-initializes the pad row
    W = W.at[PAD_IDX].set(0.0)
    return {"indices": indices, "W": W}

def reference(indices, W):
    # Syll_Embeddings.model(indices): plain embedding lookup
    return jnp.take(W, indices, axis=0)

if __name__ == "__main__":
    import jax
    _d = setup_inputs()
    print(jax.jit(kernel)(*tuple(_d.values())))

</pallas_src>

<mosaic_0001>
#map = affine_map<(d0, d1) -> (0, 0)>
#map1 = affine_map<(d0, d1) -> (0)>
module attributes {stable_mosaic.version = 14 : i64} {
  func.func @_gather_kernel(%arg0: i32, %arg1: i32, %arg2: memref<50x4096xi32, #tpu.memory_space<hbm>>, %arg3: memref<65536xf32, #tpu.memory_space<hbm>>, %arg4: memref<3200x4096xf32, #tpu.memory_space<hbm>>, %arg5: memref<65536xf32, #tpu.memory_space<vmem>>, %arg6: memref<50x128xi32, #tpu.memory_space<vmem>>, %arg7: memref<128x128xf32, #tpu.memory_space<vmem>>, %arg8: memref<128x128xf32, #tpu.memory_space<vmem>>, %arg9: memref<!tpu.dma_semaphore, #tpu.memory_space<semaphore_mem>>, %arg10: memref<!tpu.dma_semaphore, #tpu.memory_space<semaphore_mem>>) attributes {dimension_semantics = [#tpu.dimension_semantics<core_parallel>, #tpu.dimension_semantics<subcore_parallel>], iteration_bounds = array<i64: 2, 16>, scalar_prefetch = 0 : i64, scratch_operands = 6 : i64, tpu.core_type = #tpu.core_type<sc_vector_subcore>, window_params = [{transform_indices = #map}, {transform_indices = #map1}, {transform_indices = #map}]} {
    %mul3A = arith.constant 2 : i32
    %mul3A_0 = arith.muli %arg1, %mul3A : i32
    %add3A = arith.addi %mul3A_0, %arg0 : i32
    %mul3A_1 = arith.constant 128 : i32
    %mul3A_2 = arith.muli %add3A, %mul3A_1 : i32
    tpu.enqueue_dma source(%arg3 : memref<65536xf32, #tpu.memory_space<hbm>>) target(%arg5 : memref<65536xf32, #tpu.memory_space<vmem>>) target_semaphore(%arg9 : memref<!tpu.dma_semaphore, #tpu.memory_space<semaphore_mem>>)
    %dma_start3A = arith.constant 0 : i32
    %dma_start3A_3 = tpu.memref_slice %arg2[%dma_start3A, %mul3A_2] : memref<50x4096xi32, #tpu.memory_space<hbm>> -> memref<50x128xi32, #tpu.memory_space<hbm>>
    %dma_start3A_4 = arith.constant 0 : i32
    %dma_start3A_5 = tpu.memref_slice %arg2[%dma_start3A_4, %mul3A_2] : memref<50x4096xi32, #tpu.memory_space<hbm>> -> memref<50x128xi32, #tpu.memory_space<hbm>>
    tpu.enqueue_dma source(%dma_start3A_5 : memref<50x128xi32, #tpu.memory_space<hbm>>) target(%arg6 : memref<50x128xi32, #tpu.memory_space<vmem>>) target_semaphore(%arg10 : memref<!tpu.dma_semaphore, #tpu.memory_space<semaphore_mem>>)
    tpu.wait_dma2 semaphore(%arg9 : memref<!tpu.dma_semaphore, #tpu.memory_space<semaphore_mem>>) src(%arg3 : memref<65536xf32, #tpu.memory_space<hbm>>) dst(%arg5 : memref<65536xf32, #tpu.memory_space<vmem>>)
    %dma_wait3A = arith.constant 0 : i32
    %dma_wait3A_6 = tpu.memref_slice %arg2[%dma_wait3A, %mul3A_2] : memref<50x4096xi32, #tpu.memory_space<hbm>> -> memref<50x128xi32, #tpu.memory_space<hbm>>
    %dma_wait3A_7 = arith.constant 0 : i32
    %dma_wait3A_8 = tpu.memref_slice %arg2[%dma_wait3A_7, %mul3A_2] : memref<50x4096xi32, #tpu.memory_space<hbm>> -> memref<50x128xi32, #tpu.memory_space<hbm>>
    tpu.wait_dma2 semaphore(%arg10 : memref<!tpu.dma_semaphore, #tpu.memory_space<semaphore_mem>>) src(%dma_wait3A_8 : memref<50x128xi32, #tpu.memory_space<hbm>>) dst(%arg6 : memref<50x128xi32, #tpu.memory_space<vmem>>)
    %scan3A = arith.constant 0 : i32
    %scan3A_9 = arith.constant 0 : i32
    %scan3A_10 = arith.constant 12 : i32
    %scan3A_11 = arith.addi %scan3A_9, %scan3A_10 : i32
    %scan3A_12 = arith.constant 1 : i32
    scf.for %scan3A_100 = %scan3A_9 to %scan3A_11 step %scan3A_12  : i32 {
      %mul3A_101 = arith.constant 2 : i32
      %mul3A_102 = arith.muli %mul3A_101, %scan3A_100 : i32
      %add3A_103 = arith.constant 0 : i32
      %add3A_104 = arith.addi %mul3A_102, %add3A_103 : i32
      %gt3A = arith.constant 0 : i32
      %gt3A_105 = arith.cmpi sgt, %scan3A_100, %gt3A : i32
      %convert_element_type3A = arith.extui %gt3A_105 : i1 to i32
      %cond3A = arith.constant 0 : i32
      %cond3A_106 = arith.cmpi ne, %convert_element_type3A, %cond3A : i32
      scf.if %cond3A_106 {
        %dma_wait3A_252 = arith.constant 0 : i32
        %dma_wait3A_253 = tpu.memref_slice %arg4[%dma_wait3A_252, %mul3A_2] : memref<3200x4096xf32, #tpu.memory_space<hbm>> -> memref<128x128xf32, #tpu.memory_space<hbm>>
        %dma_wait3A_254 = arith.constant 0 : i32
        %dma_wait3A_255 = tpu.memref_slice %arg4[%dma_wait3A_254, %mul3A_2] : memref<3200x4096xf32, #tpu.memory_space<hbm>> -> memref<128x128xf32, #tpu.memory_space<hbm>>
        tpu.wait_dma2 semaphore(%arg9 : memref<!tpu.dma_semaphore, #tpu.memory_space<semaphore_mem>>) src(%arg7 : memref<128x128xf32, #tpu.memory_space<vmem>>) dst(%dma_wait3A_255 : memref<128x128xf32, #tpu.memory_space<hbm>>)
      } else {
      }
      %mul3A_107 = arith.constant 2 : i32
      %mul3A_108 = arith.muli %mul3A_107, %add3A_104 : i32
      %get3A_109 = arith.index_cast %mul3A_108 : i32 to index
      %get3A_110 = arith.constant 0 : index
      %get3A_111 = tpu.vector_load %arg6[%get3A_109, %get3A_110] {strides = array<i32>} : memref<50x128xi32, #tpu.memory_space<vmem>>, vector<16xi32>,
      %get3A_112 = arith.index_cast %mul3A_108 : i32 to index
      %get3A_113 = arith.constant 16 : index
      %get3A_114 = tpu.vector_load %arg6[%get3A_112, %get3A_113] {strides = array<i32>} : memref<50x128xi32, #tpu.memory_space<vmem>>, vector<16xi32>,
      %get3A_115 = arith.index_cast %mul3A_108 : i32 to index
      %get3A_116 = arith.constant 32 : index
      %get3A_117 = tpu.vector_load %arg6[%get3A_115, %get3A_116] {strides = array<i32>} : memref<50x128xi32, #tpu.memory_space<vmem>>, vector<16xi32>,
      %get3A_118 = arith.index_cast %mul3A_108 : i32 to index
      %get3A_119 = arith.constant 48 : index
      %get3A_120 = tpu.vector_load %arg6[%get3A_118, %get3A_119] {strides = array<i32>} : memref<50x128xi32, #tpu.memory_space<vmem>>, vector<16xi32>,
      %get3A_121 = arith.index_cast %mul3A_108 : i32 to index
      %get3A_122 = arith.constant 64 : index
      %get3A_123 = tpu.vector_load %arg6[%get3A_121, %get3A_122] {strides = array<i32>} : memref<50x128xi32, #tpu.memory_space<vmem>>, vector<16xi32>,
      %get3A_124 = arith.index_cast %mul3A_108 : i32 to index
      %get3A_125 = arith.constant 80 : index
      %get3A_126 = tpu.vector_load %arg6[%get3A_124, %get3A_125] {strides = array<i32>} : memref<50x128xi32, #tpu.memory_space<vmem>>, vector<16xi32>,
      %get3A_127 = arith.index_cast %mul3A_108 : i32 to index
      %get3A_128 = arith.constant 96 : index
      %get3A_129 = tpu.vector_load %arg6[%get3A_127, %get3A_128] {strides = array<i32>} : memref<50x128xi32, #tpu.memory_space<vmem>>, vector<16xi32>,
      %get3A_130 = arith.index_cast %mul3A_108 : i32 to index
      %get3A_131 = arith.constant 112 : index
      %get3A_132 = tpu.vector_load %arg6[%get3A_130, %get3A_131] {strides = array<i32>} : memref<50x128xi32, #tpu.memory_space<vmem>>, vector<16xi32>,
      %parallel_loop3A_133 = arith.constant 0 : i32
      %parallel_loop3A_134 = arith.constant 64 : i32
      %parallel_loop3A_135 = arith.constant 1 : i32
      %parallel_loop3A_136:8 = scf.for %parallel_loop3A_252 = %parallel_loop3A_133 to %parallel_loop3A_134 step %parallel_loop3A_135 iter_args(%parallel_loop3A_253 = %get3A_111, %parallel_loop3A_254 = %get3A_114, %parallel_loop3A_255 = %get3A_117, %parallel_loop3A_256 = %get3A_120, %parallel_loop3A_257 = %get3A_123, %parallel_loop3A_258 = %get3A_126, %parallel_loop3A_259 = %get3A_129, %parallel_loop3A_260 = %get3A_132) -> (vector<16xi32>, vector<16xi32>, vector<16xi32>, vector<16xi32>, vector<16xi32>, vector<16xi32>, vector<16xi32>, vector<16xi32>)  : i32 {
        %parallel_loop3A_261 = arith.constant 1024 : i32
        %parallel_loop3A_262 = arith.muli %parallel_loop3A_252, %parallel_loop3A_261 : i32
        %parallel_loop3A_263 = vector.broadcast %parallel_loop3A_262 : i32 to vector<16xi32>
        %parallel_loop3A_264 = arith.addi %parallel_loop3A_253, %parallel_loop3A_263 : vector<16xi32>
        %parallel_loop3A_265 = tpu.vector_load_idx %arg5[%parallel_loop3A_264] : memref<65536xf32, #tpu.memory_space<vmem>>[vector<16xi32>], vector<16xf32>,
        %parallel_loop3A_266 = arith.constant 0 : i32
        %parallel_loop3A_267 = arith.addi %parallel_loop3A_266, %parallel_loop3A_252 : i32
        %parallel_loop3A_268 = arith.index_cast %parallel_loop3A_267 : i32 to index
        %parallel_loop3A_269 = arith.constant 0 : index
        %parallel_loop3A_270 = tpu.vector_load %arg7[%parallel_loop3A_268, %parallel_loop3A_269] {strides = array<i32>} : memref<128x128xf32, #tpu.memory_space<vmem>>, vector<16xf32>,
        tpu.vector_store %arg7[%parallel_loop3A_268, %parallel_loop3A_269], %parallel_loop3A_265 {strides = array<i32>} : memref<128x128xf32, #tpu.memory_space<vmem>>, vector<16xf32>,
        %parallel_loop3A_271 = vector.broadcast %parallel_loop3A_262 : i32 to vector<16xi32>
        %parallel_loop3A_272 = arith.addi %parallel_loop3A_254, %parallel_loop3A_271 : vector<16xi32>
        %parallel_loop3A_273 = tpu.vector_load_idx %arg5[%parallel_loop3A_272] : memref<65536xf32, #tpu.memory_space<vmem>>[vector<16xi32>], vector<16xf32>,
        %parallel_loop3A_274 = arith.constant 0 : i32
        %parallel_loop3A_275 = arith.addi %parallel_loop3A_274, %parallel_loop3A_252 : i32
        %parallel_loop3A_276 = arith.index_cast %parallel_loop3A_275 : i32 to index
        %parallel_loop3A_277 = arith.constant 16 : index
        %parallel_loop3A_278 = tpu.vector_load %arg7[%parallel_loop3A_276, %parallel_loop3A_277] {strides = array<i32>} : memref<128x128xf32, #tpu.memory_space<vmem>>, vector<16xf32>,
        tpu.vector_store %arg7[%parallel_loop3A_276, %parallel_loop3A_277], %parallel_loop3A_273 {strides = array<i32>} : memref<128x128xf32, #tpu.memory_space<vmem>>, vector<16xf32>,
        %parallel_loop3A_279 = vector.broadcast %parallel_loop3A_262 : i32 to vector<16xi32>
        %parallel_loop3A_280 = arith.addi %parallel_loop3A_255, %parallel_loop3A_279 : vector<16xi32>
        %parallel_loop3A_281 = tpu.vector_load_idx %arg5[%parallel_loop3A_280] : memref<65536xf32, #tpu.memory_space<vmem>>[vector<16xi32>], vector<16xf32>,
        %parallel_loop3A_282 = arith.constant 0 : i32
        %parallel_loop3A_283 = arith.addi %parallel_loop3A_282, %parallel_loop3A_252 : i32
        %parallel_loop3A_284 = arith.index_cast %parallel_loop3A_283 : i32 to index
        %parallel_loop3A_285 = arith.constant 32 : index
        %parallel_loop3A_286 = tpu.vector_load %arg7[%parallel_loop3A_284, %parallel_loop3A_285] {strides = array<i32>} : memref<128x128xf32, #tpu.memory_space<vmem>>, vector<16xf32>,
        tpu.vector_store %arg7[%parallel_loop3A_284, %parallel_loop3A_285], %parallel_loop3A_281 {strides = array<i32>} : memref<128x128xf32, #tpu.memory_space<vmem>>, vector<16xf32>,
        %parallel_loop3A_287 = vector.broadcast %parallel_loop3A_262 : i32 to vector<16xi32>
        %parallel_loop3A_288 = arith.addi %parallel_loop3A_256, %parallel_loop3A_287 : vector<16xi32>
        %parallel_loop3A_289 = tpu.vector_load_idx %arg5[%parallel_loop3A_288] : memref<65536xf32, #tpu.memory_space<vmem>>[vector<16xi32>], vector<16xf32>,
        %parallel_loop3A_290 = arith.constant 0 : i32
        %parallel_loop3A_291 = arith.addi %parallel_loop3A_290, %parallel_loop3A_252 : i32
        %parallel_loop3A_292 = arith.index_cast %parallel_loop3A_291 : i32 to index
        %parallel_loop3A_293 = arith.constant 48 : index
        %parallel_loop3A_294 = tpu.vector_load %arg7[%parallel_loop3A_292, %parallel_loop3A_293] {strides = array<i32>} : memref<128x128xf32, #tpu.memory_space<vmem>>, vector<16xf32>,
        tpu.vector_store %arg7[%parallel_loop3A_292, %parallel_loop3A_293], %parallel_loop3A_289 {strides = array<i32>} : memref<128x128xf32, #tpu.memory_space<vmem>>, vector<16xf32>,
        %parallel_loop3A_295 = vector.broadcast %parallel_loop3A_262 : i32 to vector<16xi32>
        %parallel_loop3A_296 = arith.addi %parallel_loop3A_257, %parallel_loop3A_295 : vector<16xi32>
        %parallel_loop3A_297 = tpu.vector_load_idx %arg5[%parallel_loop3A_296] : memref<65536xf32, #tpu.memory_space<vmem>>[vector<16xi32>], vector<16xf32>,
        %parallel_loop3A_298 = arith.constant 0 : i32
        %parallel_loop3A_299 = arith.addi %parallel_loop3A_298, %parallel_loop3A_252 : i32
        %parallel_loop3A_300 = arith.index_cast %parallel_loop3A_299 : i32 to index
        %parallel_loop3A_301 = arith.constant 64 : index
        %parallel_loop3A_302 = tpu.vector_load %arg7[%parallel_loop3A_300, %parallel_loop3A_301] {strides = array<i32>} : memref<128x128xf32, #tpu.memory_space<vmem>>, vector<16xf32>,
        tpu.vector_store %arg7[%parallel_loop3A_300, %parallel_loop3A_301], %parallel_loop3A_297 {strides = array<i32>} : memref<128x128xf32, #tpu.memory_space<vmem>>, vector<16xf32>,
        %parallel_loop3A_303 = vector.broadcast %parallel_loop3A_262 : i32 to vector<16xi32>
        %parallel_loop3A_304 = arith.addi %parallel_loop3A_258, %parallel_loop3A_303 : vector<16xi32>
        %parallel_loop3A_305 = tpu.vector_load_idx %arg5[%parallel_loop3A_304] : memref<65536xf32, #tpu.memory_space<vmem>>[vector<16xi32>], vector<16xf32>,
        %parallel_loop3A_306 = arith.constant 0 : i32
        %parallel_loop3A_307 = arith.addi %parallel_loop3A_306, %parallel_loop3A_252 : i32
        %parallel_loop3A_308 = arith.index_cast %parallel_loop3A_307 : i32 to index
        %parallel_loop3A_309 = arith.constant 80 : index
        %parallel_loop3A_310 = tpu.vector_load %arg7[%parallel_loop3A_308, %parallel_loop3A_309] {strides = array<i32>} : memref<128x128xf32, #tpu.memory_space<vmem>>, vector<16xf32>,
        tpu.vector_store %arg7[%parallel_loop3A_308, %parallel_loop3A_309], %parallel_loop3A_305 {strides = array<i32>} : memref<128x128xf32, #tpu.memory_space<vmem>>, vector<16xf32>,
        %parallel_loop3A_311 = vector.broadcast %parallel_loop3A_262 : i32 to vector<16xi32>
        %parallel_loop3A_312 = arith.addi %parallel_loop3A_259, %parallel_loop3A_311 : vector<16xi32>
        %parallel_loop3A_313 = tpu.vector_load_idx %arg5[%parallel_loop3A_312] : memref<65536xf32, #tpu.memory_space<vmem>>[vector<16xi32>], vector<16xf32>,
        %parallel_loop3A_314 = arith.constant 0 : i32
        %parallel_loop3A_315 = arith.addi %parallel_loop3A_314, %parallel_loop3A_252 : i32
        %parallel_loop3A_316 = arith.index_cast %parallel_loop3A_315 : i32 to index
        %parallel_loop3A_317 = arith.constant 96 : index
        %parallel_loop3A_318 = tpu.vector_load %arg7[%parallel_loop3A_316, %parallel_loop3A_317] {strides = array<i32>} : memref<128x128xf32, #tpu.memory_space<vmem>>, vector<16xf32>,
        tpu.vector_store %arg7[%parallel_loop3A_316, %parallel_loop3A_317], %parallel_loop3A_313 {strides = array<i32>} : memref<128x128xf32, #tpu.memory_space<vmem>>, vector<16xf32>,
        %parallel_loop3A_319 = vector.broadcast %parallel_loop3A_262 : i32 to vector<16xi32>
        %parallel_loop3A_320 = arith.addi %parallel_loop3A_260, %parallel_loop3A_319 : vector<16xi32>
        %parallel_loop3A_321 = tpu.vector_load_idx %arg5[%parallel_loop3A_320] : memref<65536xf32, #tpu.memory_space<vmem>>[vector<16xi32>], vector<16xf32>,
        %parallel_loop3A_322 = arith.constant 0 : i32
        %parallel_loop3A_323 = arith.addi %parallel_loop3A_322, %parallel_loop3A_252 : i32
        %parallel_loop3A_324 = arith.index_cast %parallel_loop3A_323 : i32 to index
        %parallel_loop3A_325 = arith.constant 112 : index
        %parallel_loop3A_326 = tpu.vector_load %arg7[%parallel_loop3A_324, %parallel_loop3A_325] {strides = array<i32>} : memref<128x128xf32, #tpu.memory_space<vmem>>, vector<16xf32>,
        tpu.vector_store %arg7[%parallel_loop3A_324, %parallel_loop3A_325], %parallel_loop3A_321 {strides = array<i32>} : memref<128x128xf32, #tpu.memory_space<vmem>>, vector<16xf32>,
        scf.yield %parallel_loop3A_253, %parallel_loop3A_254, %parallel_loop3A_255, %parallel_loop3A_256, %parallel_loop3A_257, %parallel_loop3A_258, %parallel_loop3A_259, %parallel_loop3A_260 : vector<16xi32>, vector<16xi32>, vector<16xi32>, vector<16xi32>, vector<16xi32>, vector<16xi32>, vector<16xi32>, vector<16xi32>
      } {sc.loop_unroll_factor = 4 : i64, sc.parallel_access}
      %mul3A_137 = arith.constant 2 : i32
      %mul3A_138 = arith.muli %mul3A_137, %add3A_104 : i32
      %add3A_139 = arith.constant 1 : i32
      %add3A_140 = arith.addi %mul3A_138, %add3A_139 : i32
      %get3A_141 = arith.index_cast %add3A_140 : i32 to index
      %get3A_142 = arith.constant 0 : index
      %get3A_143 = tpu.vector_load %arg6[%get3A_141, %get3A_142] {strides = array<i32>} : memref<50x128xi32, #tpu.memory_space<vmem>>, vector<16xi32>,
      %get3A_144 = arith.index_cast %add3A_140 : i32 to index
      %get3A_145 = arith.constant 16 : index
      %get3A_146 = tpu.vector_load %arg6[%get3A_144, %get3A_145] {strides = array<i32>} : memref<50x128xi32, #tpu.memory_space<vmem>>, vector<16xi32>,
      %get3A_147 = arith.index_cast %add3A_140 : i32 to index
      %get3A_148 = arith.constant 32 : index
      %get3A_149 = tpu.vector_load %arg6[%get3A_147, %get3A_148] {strides = array<i32>} : memref<50x128xi32, #tpu.memory_space<vmem>>, vector<16xi32>,
      %get3A_150 = arith.index_cast %add3A_140 : i32 to index
      %get3A_151 = arith.constant 48 : index
      %get3A_152 = tpu.vector_load %arg6[%get3A_150, %get3A_151] {strides = array<i32>} : memref<50x128xi32, #tpu.memory_space<vmem>>, vector<16xi32>,
      %get3A_153 = arith.index_cast %add3A_140 : i32 to index
      %get3A_154 = arith.constant 64 : index
      %get3A_155 = tpu.vector_load %arg6[%get3A_153, %get3A_154] {strides = array<i32>} : memref<50x128xi32, #tpu.memory_space<vmem>>, vector<16xi32>,
      %get3A_156 = arith.index_cast %add3A_140 : i32 to index
      %get3A_157 = arith.constant 80 : index
      %get3A_158 = tpu.vector_load %arg6[%get3A_156, %get3A_157] {strides = array<i32>} : memref<50x128xi32, #tpu.memory_space<vmem>>, vector<16xi32>,
      %get3A_159 = arith.index_cast %add3A_140 : i32 to index
      %get3A_160 = arith.constant 96 : index
      %get3A_161 = tpu.vector_load %arg6[%get3A_159, %get3A_160] {strides = array<i32>} : memref<50x128xi32, #tpu.memory_space<vmem>>, vector<16xi32>,
      %get3A_162 = arith.index_cast %add3A_140 : i32 to index
      %get3A_163 = arith.constant 112 : index
      %get3A_164 = tpu.vector_load %arg6[%get3A_162, %get3A_163] {strides = array<i32>} : memref<50x128xi32, #tpu.memory_space<vmem>>, vector<16xi32>,
      %parallel_loop3A_165 = arith.constant 0 : i32
      %parallel_loop3A_166 = arith.constant 64 : i32
      %parallel_loop3A_167 = arith.constant 1 : i32
      %parallel_loop3A_168:8 = scf.for %parallel_loop3A_252 = %parallel_loop3A_165 to %parallel_loop3A_166 step %parallel_loop3A_167 iter_args(%parallel_loop3A_253 = %get3A_143, %parallel_loop3A_254 = %get3A_146, %parallel_loop3A_255 = %get3A_149, %parallel_loop3A_256 = %get3A_152, %parallel_loop3A_257 = %get3A_155, %parallel_loop3A_258 = %get3A_158, %parallel_loop3A_259 = %get3A_161, %parallel_loop3A_260 = %get3A_164) -> (vector<16xi32>, vector<16xi32>, vector<16xi32>, vector<16xi32>, vector<16xi32>, vector<16xi32>, vector<16xi32>, vector<16xi32>)  : i32 {
        %parallel_loop3A_261 = arith.constant 1024 : i32
        %parallel_loop3A_262 = arith.muli %parallel_loop3A_252, %parallel_loop3A_261 : i32
        %parallel_loop3A_263 = vector.broadcast %parallel_loop3A_262 : i32 to vector<16xi32>
        %parallel_loop3A_264 = arith.addi %parallel_loop3A_253, %parallel_loop3A_263 : vector<16xi32>
        %parallel_loop3A_265 = tpu.vector_load_idx %arg5[%parallel_loop3A_264] : memref<65536xf32, #tpu.memory_space<vmem>>[vector<16xi32>], vector<16xf32>,
        %parallel_loop3A_266 = arith.constant 64 : i32
        %parallel_loop3A_267 = arith.addi %parallel_loop3A_266, %parallel_loop3A_252 : i32
        %parallel_loop3A_268 = arith.index_cast %parallel_loop3A_267 : i32 to index
        %parallel_loop3A_269 = arith.constant 0 : index
        %parallel_loop3A_270 = tpu.vector_load %arg7[%parallel_loop3A_268, %parallel_loop3A_269] {strides = array<i32>} : memref<128x128xf32, #tpu.memory_space<vmem>>, vector<16xf32>,
        tpu.vector_store %arg7[%parallel_loop3A_268, %parallel_loop3A_269], %parallel_loop3A_265 {strides = array<i32>} : memref<128x128xf32, #tpu.memory_space<vmem>>, vector<16xf32>,
        %parallel_loop3A_271 = vector.broadcast %parallel_loop3A_262 : i32 to vector<16xi32>
        %parallel_loop3A_272 = arith.addi %parallel_loop3A_254, %parallel_loop3A_271 : vector<16xi32>
        %parallel_loop3A_273 = tpu.vector_load_idx %arg5[%parallel_loop3A_272] : memref<65536xf32, #tpu.memory_space<vmem>>[vector<16xi32>], vector<16xf32>,
        %parallel_loop3A_274 = arith.constant 64 : i32
        %parallel_loop3A_275 = arith.addi %parallel_loop3A_274, %parallel_loop3A_252 : i32
        %parallel_loop3A_276 = arith.index_cast %parallel_loop3A_275 : i32 to index
        %parallel_loop3A_277 = arith.constant 16 : index
        %parallel_loop3A_278 = tpu.vector_load %arg7[%parallel_loop3A_276, %parallel_loop3A_277] {strides = array<i32>} : memref<128x128xf32, #tpu.memory_space<vmem>>, vector<16xf32>,
        tpu.vector_store %arg7[%parallel_loop3A_276, %parallel_loop3A_277], %parallel_loop3A_273 {strides = array<i32>} : memref<128x128xf32, #tpu.memory_space<vmem>>, vector<16xf32>,
        %parallel_loop3A_279 = vector.broadcast %parallel_loop3A_262 : i32 to vector<16xi32>
        %parallel_loop3A_280 = arith.addi %parallel_loop3A_255, %parallel_loop3A_279 : vector<16xi32>
        %parallel_loop3A_281 = tpu.vector_load_idx %arg5[%parallel_loop3A_280] : memref<65536xf32, #tpu.memory_space<vmem>>[vector<16xi32>], vector<16xf32>,
        %parallel_loop3A_282 = arith.constant 64 : i32
        %parallel_loop3A_283 = arith.addi %parallel_loop3A_282, %parallel_loop3A_252 : i32
        %parallel_loop3A_284 = arith.index_cast %parallel_loop3A_283 : i32 to index
        %parallel_loop3A_285 = arith.constant 32 : index
        %parallel_loop3A_286 = tpu.vector_load %arg7[%parallel_loop3A_284, %parallel_loop3A_285] {strides = array<i32>} : memref<128x128xf32, #tpu.memory_space<vmem>>, vector<16xf32>,
        tpu.vector_store %arg7[%parallel_loop3A_284, %parallel_loop3A_285], %parallel_loop3A_281 {strides = array<i32>} : memref<128x128xf32, #tpu.memory_space<vmem>>, vector<16xf32>,
        %parallel_loop3A_287 = vector.broadcast %parallel_loop3A_262 : i32 to vector<16xi32>
        %parallel_loop3A_288 = arith.addi %parallel_loop3A_256, %parallel_loop3A_287 : vector<16xi32>
        %parallel_loop3A_289 = tpu.vector_load_idx %arg5[%parallel_loop3A_288] : memref<65536xf32, #tpu.memory_space<vmem>>[vector<16xi32>], vector<16xf32>,
        %parallel_loop3A_290 = arith.constant 64 : i32
        %parallel_loop3A_291 = arith.addi %parallel_loop3A_290, %parallel_loop3A_252 : i32
        %parallel_loop3A_292 = arith.index_cast %parallel_loop3A_291 : i32 to index
        %parallel_loop3A_293 = arith.constant 48 : index
        %parallel_loop3A_294 = tpu.vector_load %arg7[%parallel_loop3A_292, %parallel_loop3A_293] {strides = array<i32>} : memref<128x128xf32, #tpu.memory_space<vmem>>, vector<16xf32>,
        tpu.vector_store %arg7[%parallel_loop3A_292, %parallel_loop3A_293], %parallel_loop3A_289 {strides = array<i32>} : memref<128x128xf32, #tpu.memory_space<vmem>>, vector<16xf32>,
        %parallel_loop3A_295 = vector.broadcast %parallel_loop3A_262 : i32 to vector<16xi32>
        %parallel_loop3A_296 = arith.addi %parallel_loop3A_257, %parallel_loop3A_295 : vector<16xi32>
        %parallel_loop3A_297 = tpu.vector_load_idx %arg5[%parallel_loop3A_296] : memref<65536xf32, #tpu.memory_space<vmem>>[vector<16xi32>], vector<16xf32>,
        %parallel_loop3A_298 = arith.constant 64 : i32
        %parallel_loop3A_299 = arith.addi %parallel_loop3A_298, %parallel_loop3A_252 : i32
        %parallel_loop3A_300 = arith.index_cast %parallel_loop3A_299 : i32 to index
        %parallel_loop3A_301 = arith.constant 64 : index
        %parallel_loop3A_302 = tpu.vector_load %arg7[%parallel_loop3A_300, %parallel_loop3A_301] {strides = array<i32>} : memref<128x128xf32, #tpu.memory_space<vmem>>, vector<16xf32>,
        tpu.vector_store %arg7[%parallel_loop3A_300, %parallel_loop3A_301], %parallel_loop3A_297 {strides = array<i32>} : memref<128x128xf32, #tpu.memory_space<vmem>>, vector<16xf32>,
        %parallel_loop3A_303 = vector.broadcast %parallel_loop3A_262 : i32 to vector<16xi32>
        %parallel_loop3A_304 = arith.addi %parallel_loop3A_258, %parallel_loop3A_303 : vector<16xi32>
        %parallel_loop3A_305 = tpu.vector_load_idx %arg5[%parallel_loop3A_304] : memref<65536xf32, #tpu.memory_space<vmem>>[vector<16xi32>], vector<16xf32>,
        %parallel_loop3A_306 = arith.constant 64 : i32
        %parallel_loop3A_307 = arith.addi %parallel_loop3A_306, %parallel_loop3A_252 : i32
        %parallel_loop3A_308 = arith.index_cast %parallel_loop3A_307 : i32 to index
        %parallel_loop3A_309 = arith.constant 80 : index
        %parallel_loop3A_310 = tpu.vector_load %arg7[%parallel_loop3A_308, %parallel_loop3A_309] {strides = array<i32>} : memref<128x128xf32, #tpu.memory_space<vmem>>, vector<16xf32>,
        tpu.vector_store %arg7[%parallel_loop3A_308, %parallel_loop3A_309], %parallel_loop3A_305 {strides = array<i32>} : memref<128x128xf32, #tpu.memory_space<vmem>>, vector<16xf32>,
        %parallel_loop3A_311 = vector.broadcast %parallel_loop3A_262 : i32 to vector<16xi32>
        %parallel_loop3A_312 = arith.addi %parallel_loop3A_259, %parallel_loop3A_311 : vector<16xi32>
        %parallel_loop3A_313 = tpu.vector_load_idx %arg5[%parallel_loop3A_312] : memref<65536xf32, #tpu.memory_space<vmem>>[vector<16xi32>], vector<16xf32>,
        %parallel_loop3A_314 = arith.constant 64 : i32
        %parallel_loop3A_315 = arith.addi %parallel_loop3A_314, %parallel_loop3A_252 : i32
        %parallel_loop3A_316 = arith.index_cast %parallel_loop3A_315 : i32 to index
        %parallel_loop3A_317 = arith.constant 96 : index
        %parallel_loop3A_318 = tpu.vector_load %arg7[%parallel_loop3A_316, %parallel_loop3A_317] {strides = array<i32>} : memref<128x128xf32, #tpu.memory_space<vmem>>, vector<16xf32>,
        tpu.vector_store %arg7[%parallel_loop3A_316, %parallel_loop3A_317], %parallel_loop3A_313 {strides = array<i32>} : memref<128x128xf32, #tpu.memory_space<vmem>>, vector<16xf32>,
        %parallel_loop3A_319 = vector.broadcast %parallel_loop3A_262 : i32 to vector<16xi32>
        %parallel_loop3A_320 = arith.addi %parallel_loop3A_260, %parallel_loop3A_319 : vector<16xi32>
        %parallel_loop3A_321 = tpu.vector_load_idx %arg5[%parallel_loop3A_320] : memref<65536xf32, #tpu.memory_space<vmem>>[vector<16xi32>], vector<16xf32>,
        %parallel_loop3A_322 = arith.constant 64 : i32
        %parallel_loop3A_323 = arith.addi %parallel_loop3A_322, %parallel_loop3A_252 : i32
        %parallel_loop3A_324 = arith.index_cast %parallel_loop3A_323 : i32 to index
        %parallel_loop3A_325 = arith.constant 112 : index
        %parallel_loop3A_326 = tpu.vector_load %arg7[%parallel_loop3A_324, %parallel_loop3A_325] {strides = array<i32>} : memref<128x128xf32, #tpu.memory_space<vmem>>, vector<16xf32>,
        tpu.vector_store %arg7[%parallel_loop3A_324, %parallel_loop3A_325], %parallel_loop3A_321 {strides = array<i32>} : memref<128x128xf32, #tpu.memory_space<vmem>>, vector<16xf32>,
        scf.yield %parallel_loop3A_253, %parallel_loop3A_254, %parallel_loop3A_255, %parallel_loop3A_256, %parallel_loop3A_257, %parallel_loop3A_258, %parallel_loop3A_259, %parallel_loop3A_260 : vector<16xi32>, vector<16xi32>, vector<16xi32>, vector<16xi32>, vector<16xi32>, vector<16xi32>, vector<16xi32>, vector<16xi32>
      } {sc.loop_unroll_factor = 4 : i64, sc.parallel_access}
      %mul3A_169 = arith.constant 2 : i32
      %mul3A_170 = arith.muli %add3A_104, %mul3A_169 : i32
      %mul3A_171 = arith.constant 64 : i32
      %mul3A_172 = arith.muli %mul3A_170, %mul3A_171 : i32
      %dma_start3A_173 = tpu.memref_slice %arg4[%mul3A_172, %mul3A_2] : memref<3200x4096xf32, #tpu.memory_space<hbm>> -> memref<128x128xf32, #tpu.memory_space<hbm>>
      %dma_start3A_174 = tpu.memref_slice %arg4[%mul3A_172, %mul3A_2] : memref<3200x4096xf32, #tpu.memory_space<hbm>> -> memref<128x128xf32, #tpu.memory_space<hbm>>
      tpu.enqueue_dma source(%arg7 : memref<128x128xf32, #tpu.memory_space<vmem>>) target(%dma_start3A_174 : memref<128x128xf32, #tpu.memory_space<hbm>>) target_semaphore(%arg9 : memref<!tpu.dma_semaphore, #tpu.memory_space<semaphore_mem>>)
      %mul3A_175 = arith.constant 2 : i32
      %mul3A_176 = arith.muli %mul3A_175, %scan3A_100 : i32
      %add3A_177 = arith.constant 1 : i32
      %add3A_178 = arith.addi %mul3A_176, %add3A_177 : i32
      %gt3A_179 = arith.constant 0 : i32
      %gt3A_180 = arith.cmpi sgt, %scan3A_100, %gt3A_179 : i32
      %convert_element_type3A_181 = arith.extui %gt3A_180 : i1 to i32
      %cond3A_182 = arith.constant 0 : i32
      %cond3A_183 = arith.cmpi ne, %convert_element_type3A_181, %cond3A_182 : i32
      scf.if %cond3A_183 {
        %dma_wait3A_252 = arith.constant 0 : i32
        %dma_wait3A_253 = tpu.memref_slice %arg4[%dma_wait3A_252, %mul3A_2] : memref<3200x4096xf32, #tpu.memory_space<hbm>> -> memref<128x128xf32, #tpu.memory_space<hbm>>
        %dma_wait3A_254 = arith.constant 0 : i32
        %dma_wait3A_255 = tpu.memref_slice %arg4[%dma_wait3A_254, %mul3A_2] : memref<3200x4096xf32, #tpu.memory_space<hbm>> -> memref<128x128xf32, #tpu.memory_space<hbm>>
        tpu.wait_dma2 semaphore(%arg10 : memref<!tpu.dma_semaphore, #tpu.memory_space<semaphore_mem>>) src(%arg8 : memref<128x128xf32, #tpu.memory_space<vmem>>) dst(%dma_wait3A_255 : memref<128x128xf32, #tpu.memory_space<hbm>>)
      } else {
      }
      %mul3A_184 = arith.constant 2 : i32
      %mul3A_185 = arith.muli %mul3A_184, %add3A_178 : i32
      %get3A_186 = arith.index_cast %mul3A_185 : i32 to index
      %get3A_187 = arith.constant 0 : index
      %get3A_188 = tpu.vector_load %arg6[%get3A_186, %get3A_187] {strides = array<i32>} : memref<50x128xi32, #tpu.memory_space<vmem>>, vector<16xi32>,
      %get3A_189 = arith.index_cast %mul3A_185 : i32 to index
      %get3A_190 = arith.constant 16 : index
      %get3A_191 = tpu.vector_load %arg6[%get3A_189, %get3A_190] {strides = array<i32>} : memref<50x128xi32, #tpu.memory_space<vmem>>, vector<16xi32>,
      %get3A_192 = arith.index_cast %mul3A_185 : i32 to index
      %get3A_193 = arith.constant 32 : index
      %get3A_194 = tpu.vector_load %arg6[%get3A_192, %get3A_193] {strides = array<i32>} : memref<50x128xi32, #tpu.memory_space<vmem>>, vector<16xi32>,
      %get3A_195 = arith.index_cast %mul3A_185 : i32 to index
      %get3A_196 = arith.constant 48 : index
      %get3A_197 = tpu.vector_load %arg6[%get3A_195, %get3A_196] {strides = array<i32>} : memref<50x128xi32, #tpu.memory_space<vmem>>, vector<16xi32>,
      %get3A_198 = arith.index_cast %mul3A_185 : i32 to index
      %get3A_199 = arith.constant 64 : index
      %get3A_200 = tpu.vector_load %arg6[%get3A_198, %get3A_199] {strides = array<i32>} : memref<50x128xi32, #tpu.memory_space<vmem>>, vector<16xi32>,
      %get3A_201 = arith.index_cast %mul3A_185 : i32 to index
      %get3A_202 = arith.constant 80 : index
      %get3A_203 = tpu.vector_load %arg6[%get3A_201, %get3A_202] {strides = array<i32>} : memref<50x128xi32, #tpu.memory_space<vmem>>, vector<16xi32>,
      %get3A_204 = arith.index_cast %mul3A_185 : i32 to index
      %get3A_205 = arith.constant 96 : index
      %get3A_206 = tpu.vector_load %arg6[%get3A_204, %get3A_205] {strides = array<i32>} : memref<50x128xi32, #tpu.memory_space<vmem>>, vector<16xi32>,
      %get3A_207 = arith.index_cast %mul3A_185 : i32 to index
      %get3A_208 = arith.constant 112 : index
      %get3A_209 = tpu.vector_load %arg6[%get3A_207, %get3A_208] {strides = array<i32>} : memref<50x128xi32, #tpu.memory_space<vmem>>, vector<16xi32>,
      %parallel_loop3A_210 = arith.constant 0 : i32
      %parallel_loop3A_211 = arith.constant 64 : i32
      %parallel_loop3A_212 = arith.constant 1 : i32
      %parallel_loop3A_213:8 = scf.for %parallel_loop3A_252 = %parallel_loop3A_210 to %parallel_loop3A_211 step %parallel_loop3A_212 iter_args(%parallel_loop3A_253 = %get3A_188, %parallel_loop3A_254 = %get3A_191, %parallel_loop3A_255 = %get3A_194, %parallel_loop3A_256 = %get3A_197, %parallel_loop3A_257 = %get3A_200, %parallel_loop3A_258 = %get3A_203, %parallel_loop3A_259 = %get3A_206, %parallel_loop3A_260 = %get3A_209) -> (vector<16xi32>, vector<16xi32>, vector<16xi32>, vector<16xi32>, vector<16xi32>, vector<16xi32>, vector<16xi32>, vector<16xi32>)  : i32 {
        %parallel_loop3A_261 = arith.constant 1024 : i32
        %parallel_loop3A_262 = arith.muli %parallel_loop3A_252, %parallel_loop3A_261 : i32
        %parallel_loop3A_263 = vector.broadcast %parallel_loop3A_262 : i32 to vector<16xi32>
        %parallel_loop3A_264 = arith.addi %parallel_loop3A_253, %parallel_loop3A_263 : vector<16xi32>
        %parallel_loop3A_265 = tpu.vector_load_idx %arg5[%parallel_loop3A_264] : memref<65536xf32, #tpu.memory_space<vmem>>[vector<16xi32>], vector<16xf32>,
        %parallel_loop3A_266 = arith.constant 0 : i32
        %parallel_loop3A_267 = arith.addi %parallel_loop3A_266, %parallel_loop3A_252 : i32
        %parallel_loop3A_268 = arith.index_cast %parallel_loop3A_267 : i32 to index
        %parallel_loop3A_269 = arith.constant 0 : index
        %parallel_loop3A_270 = tpu.vector_load %arg8[%parallel_loop3A_268, %parallel_loop3A_269] {strides = array<i32>} : memref<128x128xf32, #tpu.memory_space<vmem>>, vector<16xf32>,
        tpu.vector_store %arg8[%parallel_loop3A_268, %parallel_loop3A_269], %parallel_loop3A_265 {strides = array<i32>} : memref<128x128xf32, #tpu.memory_space<vmem>>, vector<16xf32>,
        %parallel_loop3A_271 = vector.broadcast %parallel_loop3A_262 : i32 to vector<16xi32>
        %parallel_loop3A_272 = arith.addi %parallel_loop3A_254, %parallel_loop3A_271 : vector<16xi32>
        %parallel_loop3A_273 = tpu.vector_load_idx %arg5[%parallel_loop3A_272] : memref<65536xf32, #tpu.memory_space<vmem>>[vector<16xi32>], vector<16xf32>,
        %parallel_loop3A_274 = arith.constant 0 : i32
        %parallel_loop3A_275 = arith.addi %parallel_loop3A_274, %parallel_loop3A_252 : i32
        %parallel_loop3A_276 = arith.index_cast %parallel_loop3A_275 : i32 to index
        %parallel_loop3A_277 = arith.constant 16 : index
        %parallel_loop3A_278 = tpu.vector_load %arg8[%parallel_loop3A_276, %parallel_loop3A_277] {strides = array<i32>} : memref<128x128xf32, #tpu.memory_space<vmem>>, vector<16xf32>,
        tpu.vector_store %arg8[%parallel_loop3A_276, %parallel_loop3A_277], %parallel_loop3A_273 {strides = array<i32>} : memref<128x128xf32, #tpu.memory_space<vmem>>, vector<16xf32>,
        %parallel_loop3A_279 = vector.broadcast %parallel_loop3A_262 : i32 to vector<16xi32>
        %parallel_loop3A_280 = arith.addi %parallel_loop3A_255, %parallel_loop3A_279 : vector<16xi32>
        %parallel_loop3A_281 = tpu.vector_load_idx %arg5[%parallel_loop3A_280] : memref<65536xf32, #tpu.memory_space<vmem>>[vector<16xi32>], vector<16xf32>,
        %parallel_loop3A_282 = arith.constant 0 : i32
        %parallel_loop3A_283 = arith.addi %parallel_loop3A_282, %parallel_loop3A_252 : i32
        %parallel_loop3A_284 = arith.index_cast %parallel_loop3A_283 : i32 to index
        %parallel_loop3A_285 = arith.constant 32 : index
        %parallel_loop3A_286 = tpu.vector_load %arg8[%parallel_loop3A_284, %parallel_loop3A_285] {strides = array<i32>} : memref<128x128xf32, #tpu.memory_space<vmem>>, vector<16xf32>,
        tpu.vector_store %arg8[%parallel_loop3A_284, %parallel_loop3A_285], %parallel_loop3A_281 {strides = array<i32>} : memref<128x128xf32, #tpu.memory_space<vmem>>, vector<16xf32>,
        %parallel_loop3A_287 = vector.broadcast %parallel_loop3A_262 : i32 to vector<16xi32>
        %parallel_loop3A_288 = arith.addi %parallel_loop3A_256, %parallel_loop3A_287 : vector<16xi32>
        %parallel_loop3A_289 = tpu.vector_load_idx %arg5[%parallel_loop3A_288] : memref<65536xf32, #tpu.memory_space<vmem>>[vector<16xi32>], vector<16xf32>,
        %parallel_loop3A_290 = arith.constant 0 : i32
        %parallel_loop3A_291 = arith.addi %parallel_loop3A_290, %parallel_loop3A_252 : i32
        %parallel_loop3A_292 = arith.index_cast %parallel_loop3A_291 : i32 to index
        %parallel_loop3A_293 = arith.constant 48 : index
        %parallel_loop3A_294 = tpu.vector_load %arg8[%parallel_loop3A_292, %parallel_loop3A_293] {strides = array<i32>} : memref<128x128xf32, #tpu.memory_space<vmem>>, vector<16xf32>,
        tpu.vector_store %arg8[%parallel_loop3A_292, %parallel_loop3A_293], %parallel_loop3A_289 {strides = array<i32>} : memref<128x128xf32, #tpu.memory_space<vmem>>, vector<16xf32>,
        %parallel_loop3A_295 = vector.broadcast %parallel_loop3A_262 : i32 to vector<16xi32>
        %parallel_loop3A_296 = arith.addi %parallel_loop3A_257, %parallel_loop3A_295 : vector<16xi32>
        %parallel_loop3A_297 = tpu.vector_load_idx %arg5[%parallel_loop3A_296] : memref<65536xf32, #tpu.memory_space<vmem>>[vector<16xi32>], vector<16xf32>,
        %parallel_loop3A_298 = arith.constant 0 : i32
        %parallel_loop3A_299 = arith.addi %parallel_loop3A_298, %parallel_loop3A_252 : i32
        %parallel_loop3A_300 = arith.index_cast %parallel_loop3A_299 : i32 to index
        %parallel_loop3A_301 = arith.constant 64 : index
        %parallel_loop3A_302 = tpu.vector_load %arg8[%parallel_loop3A_300, %parallel_loop3A_301] {strides = array<i32>} : memref<128x128xf32, #tpu.memory_space<vmem>>, vector<16xf32>,
        tpu.vector_store %arg8[%parallel_loop3A_300, %parallel_loop3A_301], %parallel_loop3A_297 {strides = array<i32>} : memref<128x128xf32, #tpu.memory_space<vmem>>, vector<16xf32>,
        %parallel_loop3A_303 = vector.broadcast %parallel_loop3A_262 : i32 to vector<16xi32>
        %parallel_loop3A_304 = arith.addi %parallel_loop3A_258, %parallel_loop3A_303 : vector<16xi32>
        %parallel_loop3A_305 = tpu.vector_load_idx %arg5[%parallel_loop3A_304] : memref<65536xf32, #tpu.memory_space<vmem>>[vector<16xi32>], vector<16xf32>,
        %parallel_loop3A_306 = arith.constant 0 : i32
        %parallel_loop3A_307 = arith.addi %parallel_loop3A_306, %parallel_loop3A_252 : i32
        %parallel_loop3A_308 = arith.index_cast %parallel_loop3A_307 : i32 to index
        %parallel_loop3A_309 = arith.constant 80 : index
        %parallel_loop3A_310 = tpu.vector_load %arg8[%parallel_loop3A_308, %parallel_loop3A_309] {strides = array<i32>} : memref<128x128xf32, #tpu.memory_space<vmem>>, vector<16xf32>,
        tpu.vector_store %arg8[%parallel_loop3A_308, %parallel_loop3A_309], %parallel_loop3A_305 {strides = array<i32>} : memref<128x128xf32, #tpu.memory_space<vmem>>, vector<16xf32>,
        %parallel_loop3A_311 = vector.broadcast %parallel_loop3A_262 : i32 to vector<16xi32>
        %parallel_loop3A_312 = arith.addi %parallel_loop3A_259, %parallel_loop3A_311 : vector<16xi32>
        %parallel_loop3A_313 = tpu.vector_load_idx %arg5[%parallel_loop3A_312] : memref<65536xf32, #tpu.memory_space<vmem>>[vector<16xi32>], vector<16xf32>,
        %parallel_loop3A_314 = arith.constant 0 : i32
        %parallel_loop3A_315 = arith.addi %parallel_loop3A_314, %parallel_loop3A_252 : i32
        %parallel_loop3A_316 = arith.index_cast %parallel_loop3A_315 : i32 to index
        %parallel_loop3A_317 = arith.constant 96 : index
        %parallel_loop3A_318 = tpu.vector_load %arg8[%parallel_loop3A_316, %parallel_loop3A_317] {strides = array<i32>} : memref<128x128xf32, #tpu.memory_space<vmem>>, vector<16xf32>,
        tpu.vector_store %arg8[%parallel_loop3A_316, %parallel_loop3A_317], %parallel_loop3A_313 {strides = array<i32>} : memref<128x128xf32, #tpu.memory_space<vmem>>, vector<16xf32>,
        %parallel_loop3A_319 = vector.broadcast %parallel_loop3A_262 : i32 to vector<16xi32>
        %parallel_loop3A_320 = arith.addi %parallel_loop3A_260, %parallel_loop3A_319 : vector<16xi32>
        %parallel_loop3A_321 = tpu.vector_load_idx %arg5[%parallel_loop3A_320] : memref<65536xf32, #tpu.memory_space<vmem>>[vector<16xi32>], vector<16xf32>,
        %parallel_loop3A_322 = arith.constant 0 : i32
        %parallel_loop3A_323 = arith.addi %parallel_loop3A_322, %parallel_loop3A_252 : i32
        %parallel_loop3A_324 = arith.index_cast %parallel_loop3A_323 : i32 to index
        %parallel_loop3A_325 = arith.constant 112 : index
        %parallel_loop3A_326 = tpu.vector_load %arg8[%parallel_loop3A_324, %parallel_loop3A_325] {strides = array<i32>} : memref<128x128xf32, #tpu.memory_space<vmem>>, vector<16xf32>,
        tpu.vector_store %arg8[%parallel_loop3A_324, %parallel_loop3A_325], %parallel_loop3A_321 {strides = array<i32>} : memref<128x128xf32, #tpu.memory_space<vmem>>, vector<16xf32>,
        scf.yield %parallel_loop3A_253, %parallel_loop3A_254, %parallel_loop3A_255, %parallel_loop3A_256, %parallel_loop3A_257, %parallel_loop3A_258, %parallel_loop3A_259, %parallel_loop3A_260 : vector<16xi32>, vector<16xi32>, vector<16xi32>, vector<16xi32>, vector<16xi32>, vector<16xi32>, vector<16xi32>, vector<16xi32>
      } {sc.loop_unroll_factor = 4 : i64, sc.parallel_access}
      %mul3A_214 = arith.constant 2 : i32
      %mul3A_215 = arith.muli %mul3A_214, %add3A_178 : i32
      %add3A_216 = arith.constant 1 : i32
      %add3A_217 = arith.addi %mul3A_215, %add3A_216 : i32
      %get3A_218 = arith.index_cast %add3A_217 : i32 to index
      %get3A_219 = arith.constant 0 : index
      %get3A_220 = tpu.vector_load %arg6[%get3A_218, %get3A_219] {strides = array<i32>} : memref<50x128xi32, #tpu.memory_space<vmem>>, vector<16xi32>,
      %get3A_221 = arith.index_cast %add3A_217 : i32 to index
      %get3A_222 = arith.constant 16 : index
      %get3A_223 = tpu.vector_load %arg6[%get3A_221, %get3A_222] {strides = array<i32>} : memref<50x128xi32, #tpu.memory_space<vmem>>, vector<16xi32>,
      %get3A_224 = arith.index_cast %add3A_217 : i32 to index
      %get3A_225 = arith.constant 32 : index
      %get3A_226 = tpu.vector_load %arg6[%get3A_224, %get3A_225] {strides = array<i32>} : memref<50x128xi32, #tpu.memory_space<vmem>>, vector<16xi32>,
      %get3A_227 = arith.index_cast %add3A_217 : i32 to index
      %get3A_228 = arith.constant 48 : index
      %get3A_229 = tpu.vector_load %arg6[%get3A_227, %get3A_228] {strides = array<i32>} : memref<50x128xi32, #tpu.memory_space<vmem>>, vector<16xi32>,
      %get3A_230 = arith.index_cast %add3A_217 : i32 to index
      %get3A_231 = arith.constant 64 : index
      %get3A_232 = tpu.vector_load %arg6[%get3A_230, %get3A_231] {strides = array<i32>} : memref<50x128xi32, #tpu.memory_space<vmem>>, vector<16xi32>,
      %get3A_233 = arith.index_cast %add3A_217 : i32 to index
      %get3A_234 = arith.constant 80 : index
      %get3A_235 = tpu.vector_load %arg6[%get3A_233, %get3A_234] {strides = array<i32>} : memref<50x128xi32, #tpu.memory_space<vmem>>, vector<16xi32>,
      %get3A_236 = arith.index_cast %add3A_217 : i32 to index
      %get3A_237 = arith.constant 96 : index
      %get3A_238 = tpu.vector_load %arg6[%get3A_236, %get3A_237] {strides = array<i32>} : memref<50x128xi32, #tpu.memory_space<vmem>>, vector<16xi32>,
      %get3A_239 = arith.index_cast %add3A_217 : i32 to index
      %get3A_240 = arith.constant 112 : index
      %get3A_241 = tpu.vector_load %arg6[%get3A_239, %get3A_240] {strides = array<i32>} : memref<50x128xi32, #tpu.memory_space<vmem>>, vector<16xi32>,
      %parallel_loop3A_242 = arith.constant 0 : i32
      %parallel_loop3A_243 = arith.constant 64 : i32
      %parallel_loop3A_244 = arith.constant 1 : i32
      %parallel_loop3A_245:8 = scf.for %parallel_loop3A_252 = %parallel_loop3A_242 to %parallel_loop3A_243 step %parallel_loop3A_244 iter_args(%parallel_loop3A_253 = %get3A_220, %parallel_loop3A_254 = %get3A_223, %parallel_loop3A_255 = %get3A_226, %parallel_loop3A_256 = %get3A_229, %parallel_loop3A_257 = %get3A_232, %parallel_loop3A_258 = %get3A_235, %parallel_loop3A_259 = %get3A_238, %parallel_loop3A_260 = %get3A_241) -> (vector<16xi32>, vector<16xi32>, vector<16xi32>, vector<16xi32>, vector<16xi32>, vector<16xi32>, vector<16xi32>, vector<16xi32>)  : i32 {
        %parallel_loop3A_261 = arith.constant 1024 : i32
        %parallel_loop3A_262 = arith.muli %parallel_loop3A_252, %parallel_loop3A_261 : i32
        %parallel_loop3A_263 = vector.broadcast %parallel_loop3A_262 : i32 to vector<16xi32>
        %parallel_loop3A_264 = arith.addi %parallel_loop3A_253, %parallel_loop3A_263 : vector<16xi32>
        %parallel_loop3A_265 = tpu.vector_load_idx %arg5[%parallel_loop3A_264] : memref<65536xf32, #tpu.memory_space<vmem>>[vector<16xi32>], vector<16xf32>,
        %parallel_loop3A_266 = arith.constant 64 : i32
        %parallel_loop3A_267 = arith.addi %parallel_loop3A_266, %parallel_loop3A_252 : i32
        %parallel_loop3A_268 = arith.index_cast %parallel_loop3A_267 : i32 to index
        %parallel_loop3A_269 = arith.constant 0 : index
        %parallel_loop3A_270 = tpu.vector_load %arg8[%parallel_loop3A_268, %parallel_loop3A_269] {strides = array<i32>} : memref<128x128xf32, #tpu.memory_space<vmem>>, vector<16xf32>,
        tpu.vector_store %arg8[%parallel_loop3A_268, %parallel_loop3A_269], %parallel_loop3A_265 {strides = array<i32>} : memref<128x128xf32, #tpu.memory_space<vmem>>, vector<16xf32>,
        %parallel_loop3A_271 = vector.broadcast %parallel_loop3A_262 : i32 to vector<16xi32>
        %parallel_loop3A_272 = arith.addi %parallel_loop3A_254, %parallel_loop3A_271 : vector<16xi32>
        %parallel_loop3A_273 = tpu.vector_load_idx %arg5[%parallel_loop3A_272] : memref<65536xf32, #tpu.memory_space<vmem>>[vector<16xi32>], vector<16xf32>,
        %parallel_loop3A_274 = arith.constant 64 : i32
        %parallel_loop3A_275 = arith.addi %parallel_loop3A_274, %parallel_loop3A_252 : i32
        %parallel_loop3A_276 = arith.index_cast %parallel_loop3A_275 : i32 to index
        %parallel_loop3A_277 = arith.constant 16 : index
        %parallel_loop3A_278 = tpu.vector_load %arg8[%parallel_loop3A_276, %parallel_loop3A_277] {strides = array<i32>} : memref<128x128xf32, #tpu.memory_space<vmem>>, vector<16xf32>,
        tpu.vector_store %arg8[%parallel_loop3A_276, %parallel_loop3A_277], %parallel_loop3A_273 {strides = array<i32>} : memref<128x128xf32, #tpu.memory_space<vmem>>, vector<16xf32>,
        %parallel_loop3A_279 = vector.broadcast %parallel_loop3A_262 : i32 to vector<16xi32>
        %parallel_loop3A_280 = arith.addi %parallel_loop3A_255, %parallel_loop3A_279 : vector<16xi32>
        %parallel_loop3A_281 = tpu.vector_load_idx %arg5[%parallel_loop3A_280] : memref<65536xf32, #tpu.memory_space<vmem>>[vector<16xi32>], vector<16xf32>,
        %parallel_loop3A_282 = arith.constant 64 : i32
        %parallel_loop3A_283 = arith.addi %parallel_loop3A_282, %parallel_loop3A_252 : i32
        %parallel_loop3A_284 = arith.index_cast %parallel_loop3A_283 : i32 to index
        %parallel_loop3A_285 = arith.constant 32 : index
        %parallel_loop3A_286 = tpu.vector_load %arg8[%parallel_loop3A_284, %parallel_loop3A_285] {strides = array<i32>} : memref<128x128xf32, #tpu.memory_space<vmem>>, vector<16xf32>,
        tpu.vector_store %arg8[%parallel_loop3A_284, %parallel_loop3A_285], %parallel_loop3A_281 {strides = array<i32>} : memref<128x128xf32, #tpu.memory_space<vmem>>, vector<16xf32>,
        %parallel_loop3A_287 = vector.broadcast %parallel_loop3A_262 : i32 to vector<16xi32>
        %parallel_loop3A_288 = arith.addi %parallel_loop3A_256, %parallel_loop3A_287 : vector<16xi32>
        %parallel_loop3A_289 = tpu.vector_load_idx %arg5[%parallel_loop3A_288] : memref<65536xf32, #tpu.memory_space<vmem>>[vector<16xi32>], vector<16xf32>,
        %parallel_loop3A_290 = arith.constant 64 : i32
        %parallel_loop3A_291 = arith.addi %parallel_loop3A_290, %parallel_loop3A_252 : i32
        %parallel_loop3A_292 = arith.index_cast %parallel_loop3A_291 : i32 to index
        %parallel_loop3A_293 = arith.constant 48 : index
        %parallel_loop3A_294 = tpu.vector_load %arg8[%parallel_loop3A_292, %parallel_loop3A_293] {strides = array<i32>} : memref<128x128xf32, #tpu.memory_space<vmem>>, vector<16xf32>,
        tpu.vector_store %arg8[%parallel_loop3A_292, %parallel_loop3A_293], %parallel_loop3A_289 {strides = array<i32>} : memref<128x128xf32, #tpu.memory_space<vmem>>, vector<16xf32>,
        %parallel_loop3A_295 = vector.broadcast %parallel_loop3A_262 : i32 to vector<16xi32>
        %parallel_loop3A_296 = arith.addi %parallel_loop3A_257, %parallel_loop3A_295 : vector<16xi32>
        %parallel_loop3A_297 = tpu.vector_load_idx %arg5[%parallel_loop3A_296] : memref<65536xf32, #tpu.memory_space<vmem>>[vector<16xi32>], vector<16xf32>,
        %parallel_loop3A_298 = arith.constant 64 : i32
        %parallel_loop3A_299 = arith.addi %parallel_loop3A_298, %parallel_loop3A_252 : i32
        %parallel_loop3A_300 = arith.index_cast %parallel_loop3A_299 : i32 to index
        %parallel_loop3A_301 = arith.constant 64 : index
        %parallel_loop3A_302 = tpu.vector_load %arg8[%parallel_loop3A_300, %parallel_loop3A_301] {strides = array<i32>} : memref<128x128xf32, #tpu.memory_space<vmem>>, vector<16xf32>,
        tpu.vector_store %arg8[%parallel_loop3A_300, %parallel_loop3A_301], %parallel_loop3A_297 {strides = array<i32>} : memref<128x128xf32, #tpu.memory_space<vmem>>, vector<16xf32>,
        %parallel_loop3A_303 = vector.broadcast %parallel_loop3A_262 : i32 to vector<16xi32>
        %parallel_loop3A_304 = arith.addi %parallel_loop3A_258, %parallel_loop3A_303 : vector<16xi32>
        %parallel_loop3A_305 = tpu.vector_load_idx %arg5[%parallel_loop3A_304] : memref<65536xf32, #tpu.memory_space<vmem>>[vector<16xi32>], vector<16xf32>,
        %parallel_loop3A_306 = arith.constant 64 : i32
        %parallel_loop3A_307 = arith.addi %parallel_loop3A_306, %parallel_loop3A_252 : i32
        %parallel_loop3A_308 = arith.index_cast %parallel_loop3A_307 : i32 to index
        %parallel_loop3A_309 = arith.constant 80 : index
        %parallel_loop3A_310 = tpu.vector_load %arg8[%parallel_loop3A_308, %parallel_loop3A_309] {strides = array<i32>} : memref<128x128xf32, #tpu.memory_space<vmem>>, vector<16xf32>,
        tpu.vector_store %arg8[%parallel_loop3A_308, %parallel_loop3A_309], %parallel_loop3A_305 {strides = array<i32>} : memref<128x128xf32, #tpu.memory_space<vmem>>, vector<16xf32>,
        %parallel_loop3A_311 = vector.broadcast %parallel_loop3A_262 : i32 to vector<16xi32>
        %parallel_loop3A_312 = arith.addi %parallel_loop3A_259, %parallel_loop3A_311 : vector<16xi32>
        %parallel_loop3A_313 = tpu.vector_load_idx %arg5[%parallel_loop3A_312] : memref<65536xf32, #tpu.memory_space<vmem>>[vector<16xi32>], vector<16xf32>,
        %parallel_loop3A_314 = arith.constant 64 : i32
        %parallel_loop3A_315 = arith.addi %parallel_loop3A_314, %parallel_loop3A_252 : i32
        %parallel_loop3A_316 = arith.index_cast %parallel_loop3A_315 : i32 to index
        %parallel_loop3A_317 = arith.constant 96 : index
        %parallel_loop3A_318 = tpu.vector_load %arg8[%parallel_loop3A_316, %parallel_loop3A_317] {strides = array<i32>} : memref<128x128xf32, #tpu.memory_space<vmem>>, vector<16xf32>,
        tpu.vector_store %arg8[%parallel_loop3A_316, %parallel_loop3A_317], %parallel_loop3A_313 {strides = array<i32>} : memref<128x128xf32, #tpu.memory_space<vmem>>, vector<16xf32>,
        %parallel_loop3A_319 = vector.broadcast %parallel_loop3A_262 : i32 to vector<16xi32>
        %parallel_loop3A_320 = arith.addi %parallel_loop3A_260, %parallel_loop3A_319 : vector<16xi32>
        %parallel_loop3A_321 = tpu.vector_load_idx %arg5[%parallel_loop3A_320] : memref<65536xf32, #tpu.memory_space<vmem>>[vector<16xi32>], vector<16xf32>,
        %parallel_loop3A_322 = arith.constant 64 : i32
        %parallel_loop3A_323 = arith.addi %parallel_loop3A_322, %parallel_loop3A_252 : i32
        %parallel_loop3A_324 = arith.index_cast %parallel_loop3A_323 : i32 to index
        %parallel_loop3A_325 = arith.constant 112 : index
        %parallel_loop3A_326 = tpu.vector_load %arg8[%parallel_loop3A_324, %parallel_loop3A_325] {strides = array<i32>} : memref<128x128xf32, #tpu.memory_space<vmem>>, vector<16xf32>,
        tpu.vector_store %arg8[%parallel_loop3A_324, %parallel_loop3A_325], %parallel_loop3A_321 {strides = array<i32>} : memref<128x128xf32, #tpu.memory_space<vmem>>, vector<16xf32>,
        scf.yield %parallel_loop3A_253, %parallel_loop3A_254, %parallel_loop3A_255, %parallel_loop3A_256, %parallel_loop3A_257, %parallel_loop3A_258, %parallel_loop3A_259, %parallel_loop3A_260 : vector<16xi32>, vector<16xi32>, vector<16xi32>, vector<16xi32>, vector<16xi32>, vector<16xi32>, vector<16xi32>, vector<16xi32>
      } {sc.loop_unroll_factor = 4 : i64, sc.parallel_access}
      %mul3A_246 = arith.constant 2 : i32
      %mul3A_247 = arith.muli %add3A_178, %mul3A_246 : i32
      %mul3A_248 = arith.constant 64 : i32
      %mul3A_249 = arith.muli %mul3A_247, %mul3A_248 : i32
      %dma_start3A_250 = tpu.memref_slice %arg4[%mul3A_249, %mul3A_2] : memref<3200x4096xf32, #tpu.memory_space<hbm>> -> memref<128x128xf32, #tpu.memory_space<hbm>>
      %dma_start3A_251 = tpu.memref_slice %arg4[%mul3A_249, %mul3A_2] : memref<3200x4096xf32, #tpu.memory_space<hbm>> -> memref<128x128xf32, #tpu.memory_space<hbm>>
      tpu.enqueue_dma source(%arg8 : memref<128x128xf32, #tpu.memory_space<vmem>>) target(%dma_start3A_251 : memref<128x128xf32, #tpu.memory_space<hbm>>) target_semaphore(%arg10 : memref<!tpu.dma_semaphore, #tpu.memory_space<semaphore_mem>>)
    }
    %scan3A_13 = arith.constant 12 : i32
    %dma_wait3A_14 = arith.constant 0 : i32
    %dma_wait3A_15 = tpu.memref_slice %arg4[%dma_wait3A_14, %mul3A_2] : memref<3200x4096xf32, #tpu.memory_space<hbm>> -> memref<128x128xf32, #tpu.memory_space<hbm>>
    %dma_wait3A_16 = arith.constant 0 : i32
    %dma_wait3A_17 = tpu.memref_slice %arg4[%dma_wait3A_16, %mul3A_2] : memref<3200x4096xf32, #tpu.memory_space<hbm>> -> memref<128x128xf32, #tpu.memory_space<hbm>>
    tpu.wait_dma2 semaphore(%arg9 : memref<!tpu.dma_semaphore, #tpu.memory_space<semaphore_mem>>) src(%arg7 : memref<128x128xf32, #tpu.memory_space<vmem>>) dst(%dma_wait3A_17 : memref<128x128xf32, #tpu.memory_space<hbm>>)
    %get3A = arith.constant 48 : i32
    %get3A_18 = arith.index_cast %get3A : i32 to index
    %get3A_19 = arith.constant 0 : index
    %get3A_20 = tpu.vector_load %arg6[%get3A_18, %get3A_19] {strides = array<i32>} : memref<50x128xi32, #tpu.memory_space<vmem>>, vector<16xi32>,
    %get3A_21 = arith.constant 48 : i32
    %get3A_22 = arith.index_cast %get3A_21 : i32 to index
    %get3A_23 = arith.constant 16 : index
    %get3A_24 = tpu.vector_load %arg6[%get3A_22, %get3A_23] {strides = array<i32>} : memref<50x128xi32, #tpu.memory_space<vmem>>, vector<16xi32>,
    %get3A_25 = arith.constant 48 : i32
    %get3A_26 = arith.index_cast %get3A_25 : i32 to index
    %get3A_27 = arith.constant 32 : index
    %get3A_28 = tpu.vector_load %arg6[%get3A_26, %get3A_27] {strides = array<i32>} : memref<50x128xi32, #tpu.memory_space<vmem>>, vector<16xi32>,
    %get3A_29 = arith.constant 48 : i32
    %get3A_30 = arith.index_cast %get3A_29 : i32 to index
    %get3A_31 = arith.constant 48 : index
    %get3A_32 = tpu.vector_load %arg6[%get3A_30, %get3A_31] {strides = array<i32>} : memref<50x128xi32, #tpu.memory_space<vmem>>, vector<16xi32>,
    %get3A_33 = arith.constant 48 : i32
    %get3A_34 = arith.index_cast %get3A_33 : i32 to index
    %get3A_35 = arith.constant 64 : index
    %get3A_36 = tpu.vector_load %arg6[%get3A_34, %get3A_35] {strides = array<i32>} : memref<50x128xi32, #tpu.memory_space<vmem>>, vector<16xi32>,
    %get3A_37 = arith.constant 48 : i32
    %get3A_38 = arith.index_cast %get3A_37 : i32 to index
    %get3A_39 = arith.constant 80 : index
    %get3A_40 = tpu.vector_load %arg6[%get3A_38, %get3A_39] {strides = array<i32>} : memref<50x128xi32, #tpu.memory_space<vmem>>, vector<16xi32>,
    %get3A_41 = arith.constant 48 : i32
    %get3A_42 = arith.index_cast %get3A_41 : i32 to index
    %get3A_43 = arith.constant 96 : index
    %get3A_44 = tpu.vector_load %arg6[%get3A_42, %get3A_43] {strides = array<i32>} : memref<50x128xi32, #tpu.memory_space<vmem>>, vector<16xi32>,
    %get3A_45 = arith.constant 48 : i32
    %get3A_46 = arith.index_cast %get3A_45 : i32 to index
    %get3A_47 = arith.constant 112 : index
    %get3A_48 = tpu.vector_load %arg6[%get3A_46, %get3A_47] {strides = array<i32>} : memref<50x128xi32, #tpu.memory_space<vmem>>, vector<16xi32>,
    %parallel_loop3A = arith.constant 0 : i32
    %parallel_loop3A_49 = arith.constant 64 : i32
    %parallel_loop3A_50 = arith.constant 1 : i32
    %parallel_loop3A_51:8 = scf.for %parallel_loop3A_100 = %parallel_loop3A to %parallel_loop3A_49 step %parallel_loop3A_50 iter_args(%parallel_loop3A_101 = %get3A_20, %parallel_loop3A_102 = %get3A_24, %parallel_loop3A_103 = %get3A_28, %parallel_loop3A_104 = %get3A_32, %parallel_loop3A_105 = %get3A_36, %parallel_loop3A_106 = %get3A_40, %parallel_loop3A_107 = %get3A_44, %parallel_loop3A_108 = %get3A_48) -> (vector<16xi32>, vector<16xi32>, vector<16xi32>, vector<16xi32>, vector<16xi32>, vector<16xi32>, vector<16xi32>, vector<16xi32>)  : i32 {
      %parallel_loop3A_109 = arith.constant 1024 : i32
      %parallel_loop3A_110 = arith.muli %parallel_loop3A_100, %parallel_loop3A_109 : i32
      %parallel_loop3A_111 = vector.broadcast %parallel_loop3A_110 : i32 to vector<16xi32>
      %parallel_loop3A_112 = arith.addi %parallel_loop3A_101, %parallel_loop3A_111 : vector<16xi32>
      %parallel_loop3A_113 = tpu.vector_load_idx %arg5[%parallel_loop3A_112] : memref<65536xf32, #tpu.memory_space<vmem>>[vector<16xi32>], vector<16xf32>,
      %parallel_loop3A_114 = arith.constant 0 : i32
      %parallel_loop3A_115 = arith.addi %parallel_loop3A_114, %parallel_loop3A_100 : i32
      %parallel_loop3A_116 = arith.index_cast %parallel_loop3A_115 : i32 to index
      %parallel_loop3A_117 = arith.constant 0 : index
      %parallel_loop3A_118 = tpu.vector_load %arg7[%parallel_loop3A_116, %parallel_loop3A_117] {strides = array<i32>} : memref<128x128xf32, #tpu.memory_space<vmem>>, vector<16xf32>,
      tpu.vector_store %arg7[%parallel_loop3A_116, %parallel_loop3A_117], %parallel_loop3A_113 {strides = array<i32>} : memref<128x128xf32, #tpu.memory_space<vmem>>, vector<16xf32>,
      %parallel_loop3A_119 = vector.broadcast %parallel_loop3A_110 : i32 to vector<16xi32>
      %parallel_loop3A_120 = arith.addi %parallel_loop3A_102, %parallel_loop3A_119 : vector<16xi32>
      %parallel_loop3A_121 = tpu.vector_load_idx %arg5[%parallel_loop3A_120] : memref<65536xf32, #tpu.memory_space<vmem>>[vector<16xi32>], vector<16xf32>,
      %parallel_loop3A_122 = arith.constant 0 : i32
      %parallel_loop3A_123 = arith.addi %parallel_loop3A_122, %parallel_loop3A_100 : i32
      %parallel_loop3A_124 = arith.index_cast %parallel_loop3A_123 : i32 to index
      %parallel_loop3A_125 = arith.constant 16 : index
      %parallel_loop3A_126 = tpu.vector_load %arg7[%parallel_loop3A_124, %parallel_loop3A_125] {strides = array<i32>} : memref<128x128xf32, #tpu.memory_space<vmem>>, vector<16xf32>,
      tpu.vector_store %arg7[%parallel_loop3A_124, %parallel_loop3A_125], %parallel_loop3A_121 {strides = array<i32>} : memref<128x128xf32, #tpu.memory_space<vmem>>, vector<16xf32>,
      %parallel_loop3A_127 = vector.broadcast %parallel_loop3A_110 : i32 to vector<16xi32>
      %parallel_loop3A_128 = arith.addi %parallel_loop3A_103, %parallel_loop3A_127 : vector<16xi32>
      %parallel_loop3A_129 = tpu.vector_load_idx %arg5[%parallel_loop3A_128] : memref<65536xf32, #tpu.memory_space<vmem>>[vector<16xi32>], vector<16xf32>,
      %parallel_loop3A_130 = arith.constant 0 : i32
      %parallel_loop3A_131 = arith.addi %parallel_loop3A_130, %parallel_loop3A_100 : i32
      %parallel_loop3A_132 = arith.index_cast %parallel_loop3A_131 : i32 to index
      %parallel_loop3A_133 = arith.constant 32 : index
      %parallel_loop3A_134 = tpu.vector_load %arg7[%parallel_loop3A_132, %parallel_loop3A_133] {strides = array<i32>} : memref<128x128xf32, #tpu.memory_space<vmem>>, vector<16xf32>,
      tpu.vector_store %arg7[%parallel_loop3A_132, %parallel_loop3A_133], %parallel_loop3A_129 {strides = array<i32>} : memref<128x128xf32, #tpu.memory_space<vmem>>, vector<16xf32>,
      %parallel_loop3A_135 = vector.broadcast %parallel_loop3A_110 : i32 to vector<16xi32>
      %parallel_loop3A_136 = arith.addi %parallel_loop3A_104, %parallel_loop3A_135 : vector<16xi32>
      %parallel_loop3A_137 = tpu.vector_load_idx %arg5[%parallel_loop3A_136] : memref<65536xf32, #tpu.memory_space<vmem>>[vector<16xi32>], vector<16xf32>,
      %parallel_loop3A_138 = arith.constant 0 : i32
      %parallel_loop3A_139 = arith.addi %parallel_loop3A_138, %parallel_loop3A_100 : i32
      %parallel_loop3A_140 = arith.index_cast %parallel_loop3A_139 : i32 to index
      %parallel_loop3A_141 = arith.constant 48 : index
      %parallel_loop3A_142 = tpu.vector_load %arg7[%parallel_loop3A_140, %parallel_loop3A_141] {strides = array<i32>} : memref<128x128xf32, #tpu.memory_space<vmem>>, vector<16xf32>,
      tpu.vector_store %arg7[%parallel_loop3A_140, %parallel_loop3A_141], %parallel_loop3A_137 {strides = array<i32>} : memref<128x128xf32, #tpu.memory_space<vmem>>, vector<16xf32>,
      %parallel_loop3A_143 = vector.broadcast %parallel_loop3A_110 : i32 to vector<16xi32>
      %parallel_loop3A_144 = arith.addi %parallel_loop3A_105, %parallel_loop3A_143 : vector<16xi32>
      %parallel_loop3A_145 = tpu.vector_load_idx %arg5[%parallel_loop3A_144] : memref<65536xf32, #tpu.memory_space<vmem>>[vector<16xi32>], vector<16xf32>,
      %parallel_loop3A_146 = arith.constant 0 : i32
      %parallel_loop3A_147 = arith.addi %parallel_loop3A_146, %parallel_loop3A_100 : i32
      %parallel_loop3A_148 = arith.index_cast %parallel_loop3A_147 : i32 to index
      %parallel_loop3A_149 = arith.constant 64 : index
      %parallel_loop3A_150 = tpu.vector_load %arg7[%parallel_loop3A_148, %parallel_loop3A_149] {strides = array<i32>} : memref<128x128xf32, #tpu.memory_space<vmem>>, vector<16xf32>,
      tpu.vector_store %arg7[%parallel_loop3A_148, %parallel_loop3A_149], %parallel_loop3A_145 {strides = array<i32>} : memref<128x128xf32, #tpu.memory_space<vmem>>, vector<16xf32>,
      %parallel_loop3A_151 = vector.broadcast %parallel_loop3A_110 : i32 to vector<16xi32>
      %parallel_loop3A_152 = arith.addi %parallel_loop3A_106, %parallel_loop3A_151 : vector<16xi32>
      %parallel_loop3A_153 = tpu.vector_load_idx %arg5[%parallel_loop3A_152] : memref<65536xf32, #tpu.memory_space<vmem>>[vector<16xi32>], vector<16xf32>,
      %parallel_loop3A_154 = arith.constant 0 : i32
      %parallel_loop3A_155 = arith.addi %parallel_loop3A_154, %parallel_loop3A_100 : i32
      %parallel_loop3A_156 = arith.index_cast %parallel_loop3A_155 : i32 to index
      %parallel_loop3A_157 = arith.constant 80 : index
      %parallel_loop3A_158 = tpu.vector_load %arg7[%parallel_loop3A_156, %parallel_loop3A_157] {strides = array<i32>} : memref<128x128xf32, #tpu.memory_space<vmem>>, vector<16xf32>,
      tpu.vector_store %arg7[%parallel_loop3A_156, %parallel_loop3A_157], %parallel_loop3A_153 {strides = array<i32>} : memref<128x128xf32, #tpu.memory_space<vmem>>, vector<16xf32>,
      %parallel_loop3A_159 = vector.broadcast %parallel_loop3A_110 : i32 to vector<16xi32>
      %parallel_loop3A_160 = arith.addi %parallel_loop3A_107, %parallel_loop3A_159 : vector<16xi32>
      %parallel_loop3A_161 = tpu.vector_load_idx %arg5[%parallel_loop3A_160] : memref<65536xf32, #tpu.memory_space<vmem>>[vector<16xi32>], vector<16xf32>,
      %parallel_loop3A_162 = arith.constant 0 : i32
      %parallel_loop3A_163 = arith.addi %parallel_loop3A_162, %parallel_loop3A_100 : i32
      %parallel_loop3A_164 = arith.index_cast %parallel_loop3A_163 : i32 to index
      %parallel_loop3A_165 = arith.constant 96 : index
      %parallel_loop3A_166 = tpu.vector_load %arg7[%parallel_loop3A_164, %parallel_loop3A_165] {strides = array<i32>} : memref<128x128xf32, #tpu.memory_space<vmem>>, vector<16xf32>,
      tpu.vector_store %arg7[%parallel_loop3A_164, %parallel_loop3A_165], %parallel_loop3A_161 {strides = array<i32>} : memref<128x128xf32, #tpu.memory_space<vmem>>, vector<16xf32>,
      %parallel_loop3A_167 = vector.broadcast %parallel_loop3A_110 : i32 to vector<16xi32>
      %parallel_loop3A_168 = arith.addi %parallel_loop3A_108, %parallel_loop3A_167 : vector<16xi32>
      %parallel_loop3A_169 = tpu.vector_load_idx %arg5[%parallel_loop3A_168] : memref<65536xf32, #tpu.memory_space<vmem>>[vector<16xi32>], vector<16xf32>,
      %parallel_loop3A_170 = arith.constant 0 : i32
      %parallel_loop3A_171 = arith.addi %parallel_loop3A_170, %parallel_loop3A_100 : i32
      %parallel_loop3A_172 = arith.index_cast %parallel_loop3A_171 : i32 to index
      %parallel_loop3A_173 = arith.constant 112 : index
      %parallel_loop3A_174 = tpu.vector_load %arg7[%parallel_loop3A_172, %parallel_loop3A_173] {strides = array<i32>} : memref<128x128xf32, #tpu.memory_space<vmem>>, vector<16xf32>,
      tpu.vector_store %arg7[%parallel_loop3A_172, %parallel_loop3A_173], %parallel_loop3A_169 {strides = array<i32>} : memref<128x128xf32, #tpu.memory_space<vmem>>, vector<16xf32>,
      scf.yield %parallel_loop3A_101, %parallel_loop3A_102, %parallel_loop3A_103, %parallel_loop3A_104, %parallel_loop3A_105, %parallel_loop3A_106, %parallel_loop3A_107, %parallel_loop3A_108 : vector<16xi32>, vector<16xi32>, vector<16xi32>, vector<16xi32>, vector<16xi32>, vector<16xi32>, vector<16xi32>, vector<16xi32>
    } {sc.loop_unroll_factor = 4 : i64, sc.parallel_access}
    %get3A_52 = arith.constant 49 : i32
    %get3A_53 = arith.index_cast %get3A_52 : i32 to index
    %get3A_54 = arith.constant 0 : index
    %get3A_55 = tpu.vector_load %arg6[%get3A_53, %get3A_54] {strides = array<i32>} : memref<50x128xi32, #tpu.memory_space<vmem>>, vector<16xi32>,
    %get3A_56 = arith.constant 49 : i32
    %get3A_57 = arith.index_cast %get3A_56 : i32 to index
    %get3A_58 = arith.constant 16 : index
    %get3A_59 = tpu.vector_load %arg6[%get3A_57, %get3A_58] {strides = array<i32>} : memref<50x128xi32, #tpu.memory_space<vmem>>, vector<16xi32>,
    %get3A_60 = arith.constant 49 : i32
    %get3A_61 = arith.index_cast %get3A_60 : i32 to index
    %get3A_62 = arith.constant 32 : index
    %get3A_63 = tpu.vector_load %arg6[%get3A_61, %get3A_62] {strides = array<i32>} : memref<50x128xi32, #tpu.memory_space<vmem>>, vector<16xi32>,
    %get3A_64 = arith.constant 49 : i32
    %get3A_65 = arith.index_cast %get3A_64 : i32 to index
    %get3A_66 = arith.constant 48 : index
    %get3A_67 = tpu.vector_load %arg6[%get3A_65, %get3A_66] {strides = array<i32>} : memref<50x128xi32, #tpu.memory_space<vmem>>, vector<16xi32>,
    %get3A_68 = arith.constant 49 : i32
    %get3A_69 = arith.index_cast %get3A_68 : i32 to index
    %get3A_70 = arith.constant 64 : index
    %get3A_71 = tpu.vector_load %arg6[%get3A_69, %get3A_70] {strides = array<i32>} : memref<50x128xi32, #tpu.memory_space<vmem>>, vector<16xi32>,
    %get3A_72 = arith.constant 49 : i32
    %get3A_73 = arith.index_cast %get3A_72 : i32 to index
    %get3A_74 = arith.constant 80 : index
    %get3A_75 = tpu.vector_load %arg6[%get3A_73, %get3A_74] {strides = array<i32>} : memref<50x128xi32, #tpu.memory_space<vmem>>, vector<16xi32>,
    %get3A_76 = arith.constant 49 : i32
    %get3A_77 = arith.index_cast %get3A_76 : i32 to index
    %get3A_78 = arith.constant 96 : index
    %get3A_79 = tpu.vector_load %arg6[%get3A_77, %get3A_78] {strides = array<i32>} : memref<50x128xi32, #tpu.memory_space<vmem>>, vector<16xi32>,
    %get3A_80 = arith.constant 49 : i32
    %get3A_81 = arith.index_cast %get3A_80 : i32 to index
    %get3A_82 = arith.constant 112 : index
    %get3A_83 = tpu.vector_load %arg6[%get3A_81, %get3A_82] {strides = array<i32>} : memref<50x128xi32, #tpu.memory_space<vmem>>, vector<16xi32>,
    %parallel_loop3A_84 = arith.constant 0 : i32
    %parallel_loop3A_85 = arith.constant 64 : i32
    %parallel_loop3A_86 = arith.constant 1 : i32
    %parallel_loop3A_87:8 = scf.for %parallel_loop3A_100 = %parallel_loop3A_84 to %parallel_loop3A_85 step %parallel_loop3A_86 iter_args(%parallel_loop3A_101 = %get3A_55, %parallel_loop3A_102 = %get3A_59, %parallel_loop3A_103 = %get3A_63, %parallel_loop3A_104 = %get3A_67, %parallel_loop3A_105 = %get3A_71, %parallel_loop3A_106 = %get3A_75, %parallel_loop3A_107 = %get3A_79, %parallel_loop3A_108 = %get3A_83) -> (vector<16xi32>, vector<16xi32>, vector<16xi32>, vector<16xi32>, vector<16xi32>, vector<16xi32>, vector<16xi32>, vector<16xi32>)  : i32 {
      %parallel_loop3A_109 = arith.constant 1024 : i32
      %parallel_loop3A_110 = arith.muli %parallel_loop3A_100, %parallel_loop3A_109 : i32
      %parallel_loop3A_111 = vector.broadcast %parallel_loop3A_110 : i32 to vector<16xi32>
      %parallel_loop3A_112 = arith.addi %parallel_loop3A_101, %parallel_loop3A_111 : vector<16xi32>
      %parallel_loop3A_113 = tpu.vector_load_idx %arg5[%parallel_loop3A_112] : memref<65536xf32, #tpu.memory_space<vmem>>[vector<16xi32>], vector<16xf32>,
      %parallel_loop3A_114 = arith.constant 64 : i32
      %parallel_loop3A_115 = arith.addi %parallel_loop3A_114, %parallel_loop3A_100 : i32
      %parallel_loop3A_116 = arith.index_cast %parallel_loop3A_115 : i32 to index
      %parallel_loop3A_117 = arith.constant 0 : index
      %parallel_loop3A_118 = tpu.vector_load %arg7[%parallel_loop3A_116, %parallel_loop3A_117] {strides = array<i32>} : memref<128x128xf32, #tpu.memory_space<vmem>>, vector<16xf32>,
      tpu.vector_store %arg7[%parallel_loop3A_116, %parallel_loop3A_117], %parallel_loop3A_113 {strides = array<i32>} : memref<128x128xf32, #tpu.memory_space<vmem>>, vector<16xf32>,
      %parallel_loop3A_119 = vector.broadcast %parallel_loop3A_110 : i32 to vector<16xi32>
      %parallel_loop3A_120 = arith.addi %parallel_loop3A_102, %parallel_loop3A_119 : vector<16xi32>
      %parallel_loop3A_121 = tpu.vector_load_idx %arg5[%parallel_loop3A_120] : memref<65536xf32, #tpu.memory_space<vmem>>[vector<16xi32>], vector<16xf32>,
      %parallel_loop3A_122 = arith.constant 64 : i32
      %parallel_loop3A_123 = arith.addi %parallel_loop3A_122, %parallel_loop3A_100 : i32
      %parallel_loop3A_124 = arith.index_cast %parallel_loop3A_123 : i32 to index
      %parallel_loop3A_125 = arith.constant 16 : index
      %parallel_loop3A_126 = tpu.vector_load %arg7[%parallel_loop3A_124, %parallel_loop3A_125] {strides = array<i32>} : memref<128x128xf32, #tpu.memory_space<vmem>>, vector<16xf32>,
      tpu.vector_store %arg7[%parallel_loop3A_124, %parallel_loop3A_125], %parallel_loop3A_121 {strides = array<i32>} : memref<128x128xf32, #tpu.memory_space<vmem>>, vector<16xf32>,
      %parallel_loop3A_127 = vector.broadcast %parallel_loop3A_110 : i32 to vector<16xi32>
      %parallel_loop3A_128 = arith.addi %parallel_loop3A_103, %parallel_loop3A_127 : vector<16xi32>
      %parallel_loop3A_129 = tpu.vector_load_idx %arg5[%parallel_loop3A_128] : memref<65536xf32, #tpu.memory_space<vmem>>[vector<16xi32>], vector<16xf32>,
      %parallel_loop3A_130 = arith.constant 64 : i32
      %parallel_loop3A_131 = arith.addi %parallel_loop3A_130, %parallel_loop3A_100 : i32
      %parallel_loop3A_132 = arith.index_cast %parallel_loop3A_131 : i32 to index
      %parallel_loop3A_133 = arith.constant 32 : index
      %parallel_loop3A_134 = tpu.vector_load %arg7[%parallel_loop3A_132, %parallel_loop3A_133] {strides = array<i32>} : memref<128x128xf32, #tpu.memory_space<vmem>>, vector<16xf32>,
      tpu.vector_store %arg7[%parallel_loop3A_132, %parallel_loop3A_133], %parallel_loop3A_129 {strides = array<i32>} : memref<128x128xf32, #tpu.memory_space<vmem>>, vector<16xf32>,
      %parallel_loop3A_135 = vector.broadcast %parallel_loop3A_110 : i32 to vector<16xi32>
      %parallel_loop3A_136 = arith.addi %parallel_loop3A_104, %parallel_loop3A_135 : vector<16xi32>
      %parallel_loop3A_137 = tpu.vector_load_idx %arg5[%parallel_loop3A_136] : memref<65536xf32, #tpu.memory_space<vmem>>[vector<16xi32>], vector<16xf32>,
      %parallel_loop3A_138 = arith.constant 64 : i32
      %parallel_loop3A_139 = arith.addi %parallel_loop3A_138, %parallel_loop3A_100 : i32
      %parallel_loop3A_140 = arith.index_cast %parallel_loop3A_139 : i32 to index
      %parallel_loop3A_141 = arith.constant 48 : index
      %parallel_loop3A_142 = tpu.vector_load %arg7[%parallel_loop3A_140, %parallel_loop3A_141] {strides = array<i32>} : memref<128x128xf32, #tpu.memory_space<vmem>>, vector<16xf32>,
      tpu.vector_store %arg7[%parallel_loop3A_140, %parallel_loop3A_141], %parallel_loop3A_137 {strides = array<i32>} : memref<128x128xf32, #tpu.memory_space<vmem>>, vector<16xf32>,
      %parallel_loop3A_143 = vector.broadcast %parallel_loop3A_110 : i32 to vector<16xi32>
      %parallel_loop3A_144 = arith.addi %parallel_loop3A_105, %parallel_loop3A_143 : vector<16xi32>
      %parallel_loop3A_145 = tpu.vector_load_idx %arg5[%parallel_loop3A_144] : memref<65536xf32, #tpu.memory_space<vmem>>[vector<16xi32>], vector<16xf32>,
      %parallel_loop3A_146 = arith.constant 64 : i32
      %parallel_loop3A_147 = arith.addi %parallel_loop3A_146, %parallel_loop3A_100 : i32
      %parallel_loop3A_148 = arith.index_cast %parallel_loop3A_147 : i32 to index
      %parallel_loop3A_149 = arith.constant 64 : index
      %parallel_loop3A_150 = tpu.vector_load %arg7[%parallel_loop3A_148, %parallel_loop3A_149] {strides = array<i32>} : memref<128x128xf32, #tpu.memory_space<vmem>>, vector<16xf32>,
      tpu.vector_store %arg7[%parallel_loop3A_148, %parallel_loop3A_149], %parallel_loop3A_145 {strides = array<i32>} : memref<128x128xf32, #tpu.memory_space<vmem>>, vector<16xf32>,
      %parallel_loop3A_151 = vector.broadcast %parallel_loop3A_110 : i32 to vector<16xi32>
      %parallel_loop3A_152 = arith.addi %parallel_loop3A_106, %parallel_loop3A_151 : vector<16xi32>
      %parallel_loop3A_153 = tpu.vector_load_idx %arg5[%parallel_loop3A_152] : memref<65536xf32, #tpu.memory_space<vmem>>[vector<16xi32>], vector<16xf32>,
      %parallel_loop3A_154 = arith.constant 64 : i32
      %parallel_loop3A_155 = arith.addi %parallel_loop3A_154, %parallel_loop3A_100 : i32
      %parallel_loop3A_156 = arith.index_cast %parallel_loop3A_155 : i32 to index
      %parallel_loop3A_157 = arith.constant 80 : index
      %parallel_loop3A_158 = tpu.vector_load %arg7[%parallel_loop3A_156, %parallel_loop3A_157] {strides = array<i32>} : memref<128x128xf32, #tpu.memory_space<vmem>>, vector<16xf32>,
      tpu.vector_store %arg7[%parallel_loop3A_156, %parallel_loop3A_157], %parallel_loop3A_153 {strides = array<i32>} : memref<128x128xf32, #tpu.memory_space<vmem>>, vector<16xf32>,
      %parallel_loop3A_159 = vector.broadcast %parallel_loop3A_110 : i32 to vector<16xi32>
      %parallel_loop3A_160 = arith.addi %parallel_loop3A_107, %parallel_loop3A_159 : vector<16xi32>
      %parallel_loop3A_161 = tpu.vector_load_idx %arg5[%parallel_loop3A_160] : memref<65536xf32, #tpu.memory_space<vmem>>[vector<16xi32>], vector<16xf32>,
      %parallel_loop3A_162 = arith.constant 64 : i32
      %parallel_loop3A_163 = arith.addi %parallel_loop3A_162, %parallel_loop3A_100 : i32
      %parallel_loop3A_164 = arith.index_cast %parallel_loop3A_163 : i32 to index
      %parallel_loop3A_165 = arith.constant 96 : index
      %parallel_loop3A_166 = tpu.vector_load %arg7[%parallel_loop3A_164, %parallel_loop3A_165] {strides = array<i32>} : memref<128x128xf32, #tpu.memory_space<vmem>>, vector<16xf32>,
      tpu.vector_store %arg7[%parallel_loop3A_164, %parallel_loop3A_165], %parallel_loop3A_161 {strides = array<i32>} : memref<128x128xf32, #tpu.memory_space<vmem>>, vector<16xf32>,
      %parallel_loop3A_167 = vector.broadcast %parallel_loop3A_110 : i32 to vector<16xi32>
      %parallel_loop3A_168 = arith.addi %parallel_loop3A_108, %parallel_loop3A_167 : vector<16xi32>
      %parallel_loop3A_169 = tpu.vector_load_idx %arg5[%parallel_loop3A_168] : memref<65536xf32, #tpu.memory_space<vmem>>[vector<16xi32>], vector<16xf32>,
      %parallel_loop3A_170 = arith.constant 64 : i32
      %parallel_loop3A_171 = arith.addi %parallel_loop3A_170, %parallel_loop3A_100 : i32
      %parallel_loop3A_172 = arith.index_cast %parallel_loop3A_171 : i32 to index
      %parallel_loop3A_173 = arith.constant 112 : index
      %parallel_loop3A_174 = tpu.vector_load %arg7[%parallel_loop3A_172, %parallel_loop3A_173] {strides = array<i32>} : memref<128x128xf32, #tpu.memory_space<vmem>>, vector<16xf32>,
      tpu.vector_store %arg7[%parallel_loop3A_172, %parallel_loop3A_173], %parallel_loop3A_169 {strides = array<i32>} : memref<128x128xf32, #tpu.memory_space<vmem>>, vector<16xf32>,
      scf.yield %parallel_loop3A_101, %parallel_loop3A_102, %parallel_loop3A_103, %parallel_loop3A_104, %parallel_loop3A_105, %parallel_loop3A_106, %parallel_loop3A_107, %parallel_loop3A_108 : vector<16xi32>, vector<16xi32>, vector<16xi32>, vector<16xi32>, vector<16xi32>, vector<16xi32>, vector<16xi32>, vector<16xi32>
    } {sc.loop_unroll_factor = 4 : i64, sc.parallel_access}
    %dma_start3A_88 = arith.constant 3072 : i32
    %dma_start3A_89 = tpu.memref_slice %arg4[%dma_start3A_88, %mul3A_2] : memref<3200x4096xf32, #tpu.memory_space<hbm>> -> memref<128x128xf32, #tpu.memory_space<hbm>>
    %dma_start3A_90 = arith.constant 3072 : i32
    %dma_start3A_91 = tpu.memref_slice %arg4[%dma_start3A_90, %mul3A_2] : memref<3200x4096xf32, #tpu.memory_space<hbm>> -> memref<128x128xf32, #tpu.memory_space<hbm>>
    tpu.enqueue_dma source(%arg7 : memref<128x128xf32, #tpu.memory_space<vmem>>) target(%dma_start3A_91 : memref<128x128xf32, #tpu.memory_space<hbm>>) target_semaphore(%arg9 : memref<!tpu.dma_semaphore, #tpu.memory_space<semaphore_mem>>)
    %dma_wait3A_92 = arith.constant 0 : i32
    %dma_wait3A_93 = tpu.memref_slice %arg4[%dma_wait3A_92, %mul3A_2] : memref<3200x4096xf32, #tpu.memory_space<hbm>> -> memref<128x128xf32, #tpu.memory_space<hbm>>
    %dma_wait3A_94 = arith.constant 0 : i32
    %dma_wait3A_95 = tpu.memref_slice %arg4[%dma_wait3A_94, %mul3A_2] : memref<3200x4096xf32, #tpu.memory_space<hbm>> -> memref<128x128xf32, #tpu.memory_space<hbm>>
    tpu.wait_dma2 semaphore(%arg9 : memref<!tpu.dma_semaphore, #tpu.memory_space<semaphore_mem>>) src(%arg7 : memref<128x128xf32, #tpu.memory_space<vmem>>) dst(%dma_wait3A_95 : memref<128x128xf32, #tpu.memory_space<hbm>>)
    %dma_wait3A_96 = arith.constant 0 : i32
    %dma_wait3A_97 = tpu.memref_slice %arg4[%dma_wait3A_96, %mul3A_2] : memref<3200x4096xf32, #tpu.memory_space<hbm>> -> memref<128x128xf32, #tpu.memory_space<hbm>>
    %dma_wait3A_98 = arith.constant 0 : i32
    %dma_wait3A_99 = tpu.memref_slice %arg4[%dma_wait3A_98, %mul3A_2] : memref<3200x4096xf32, #tpu.memory_space<hbm>> -> memref<128x128xf32, #tpu.memory_space<hbm>>
    tpu.wait_dma2 semaphore(%arg10 : memref<!tpu.dma_semaphore, #tpu.memory_space<semaphore_mem>>) src(%arg8 : memref<128x128xf32, #tpu.memory_space<vmem>>) dst(%dma_wait3A_99 : memref<128x128xf32, #tpu.memory_space<hbm>>)
    return
  }
}

</mosaic_0001>

<sc_bundles>
// kernel: kernel.3.cloned.1.call-start
scs
__scs_entry_jumppad:
0x0: {  	(pc) =	sbr.rel $0x88, $3  }
0x1: {  	(tag) =	ssettag $0x0;
	lr =	simm.s32 $0x1  }
0x2: {  	[smem:$0x3F9F] =	sst lr;
	_ =	strace $0xD0000000  }
0x3: {  	_ = 	snop  }
0x4: {  	_ = 	snop  }
0x5: {  	_ = 	snop  }
0x6: {  	_ = 	snop  }
0x7: {  	_ = 	snop  }
__scs_overlays_trampoline_lowered:
0x8: {  	[smem:$0x3FAE] =	sst s0  }
0x9: {  	[smem:$0x3FAF] =	sst s1  }
0xa: {  	[smem:$0x3FB0] =	sst s2  }
0xb: {  	[smem:$0x3FB1] =	sst s3  }
0xc: {  	[smem:$0x3FB2] =	sst s4  }
0xd: {  	[smem:$0x3FB3] =	sst s5  }
0xe: {  	[smem:$0x3FB4] =	sst s6  }
0xf: {  	[smem:$0x3FB5] =	sst s7  }
0x10: {  	[smem:$0x3FB6] =	sst s8  }
0x11: {  	[smem:$0x3FB7] =	sst s9;
	s0 =	simm.s32 @!p0 $0x0  }
0x12: {  	s1 =	sld [smem:$0x3F9D];
	s0 =	simm.s32 @p0 $0x1  }
0x13: {  	[smem:$0x3FB8] =	sst s0;
	s0 =	simm.s32 @!p1 $0x0  }
0x14: {  	s2 =	sld [smem:$0x3F9C];
	s0 =	simm.s32 @p1 $0x1  }
0x15: {  	[smem:$0x3FB9] =	sst s0;
	s0 =	simm.s32 @!p2 $0x0  }
0x16: {  	s3 =	sld [smem:$0x3FDB];
	s0 =	simm.s32 @p2 $0x1  }
0x17: {  	s4 =	simm.s32 $0x1BF5;
	[smem:$0x3FBB] =	sst s0  }
0x18: {  	s0 =	sld [smem:$0x3F9E];
	_ =	swait.ge [sflag:s4], $0x0  }
0x19: {  	s7 =	sld [smem:$0x3F9F]  }
0x1a: {  	s8 =	sadd.s32 $0xFFFFE003, lr  }
0x1b: {  	s9 =	sadd.s32 $0xFFFFFEF7, lr;
	s5 =	simm.s32 $0xFFFFFFFF;
	p2 =	slt.u32 s8, $0xFFFFF086  }
0x1c: {  	p1 =	slt.u32 s9, $0xF7A;
	s5 =	simm.s32 @!p2 $0x0  }
0x1d: {  	s5 =	simm.s32 @p1 $0x1;
	p0 =	seq.s32 s7, s2  }
0x1e: {  	s7 =	smul.u32 @!p0 $0xF7A, s2;
	p2 =	seq.s32 @!p0 s5, $0x0  }
0x1f: {  	s9 =	smul.u32 $0xF7A, s1;
	s8 =	simm.s32 @!p0 $0x1BF5;
	p2 =	por !p2, p0  }
0x20: {  	[sflag:s8] =	ssyncset.s32 @!p0 $0xFFFFF086;
	s6 =	sadd.s32 @!p0 s3, s7;
	s7 =	simm.s32 @!p0 $0x108  }
0x21: {  	s3 =	sadd.s32 s3, s9;
	s6 =	sadd.s32 @!p0 $0x88, s6;
	s7 =	simm.s32 @p2 $0x1082  }
0x22: {  	[simem:s7], [sflag:s8] =	dma.local @!p0 [hbm:s6], $0xF7A  }
0x23: {  	s9 =	sor.u32 $0xD0000000, s2;
	s6 =	simm.s32 $0x108;
	_ =	swait.ge @!p0 [sflag:s8], $0x0  }
0x24: {  	s3 =	sadd.s32 $0x88, s3;
	s6 =	simm.s32 @!p1 $0x1082;
	[sflag:s4] =	ssyncset.s32 $0xFFFFF086  }
0x25: {  	[simem:s6], [sflag:s4] =	dma.local [hbm:s3], $0xF7A  }
0x26: {  	[smem:$0x3F9F] =	sst s1;
	(tag) =	ssettag s2;
	_ =	strace s9  }
0x27: {  	s1 =	sld [smem:$0x3FAF]  }
0x28: {  	s2 =	sld [smem:$0x3FB0]  }
0x29: {  	s4 =	sld [smem:$0x3FB2]  }
0x2a: {  	p0 =	seq.s32 s5, $0x0;
	s5 =	sld [smem:$0x3FB3]  }
0x2b: {  	s6 =	sld [smem:$0x3FB4]  }
0x2c: {  	s7 =	sld [smem:$0x3FB5]  }
0x2d: {  	s3 =	simm.s32 $0x108;
	s8 =	sld [smem:$0x3FB6]  }
0x2e: {  	s3 =	simm.s32 @!p0 $0x1082;
	s9 =	sld [smem:$0x3FB7]  }
0x2f: {  	lr =	sadd.s32 s0, s3;
	s0 =	sld [smem:$0x3FAE]  }
0x30: {  	s3 =	sld [smem:$0x3FB1]  }
0x31: {  	[smem:$0x3FBA] =	sst s10  }
0x32: {  	s10 =	sld [smem:$0x3FB8];
	_ =	sdelay $0x3  }
0x33: {  	p0 =	seq.s32 s10, $0x1;
	s10 =	sld [smem:$0x3FBA];
	_ =	sdelay $0x3  }
0x34: {  	[smem:$0x3FBA] =	sst s10  }
0x35: {  	s10 =	sld [smem:$0x3FB9];
	_ =	sdelay $0x3  }
0x36: {  	p1 =	seq.s32 s10, $0x1;
	s10 =	sld [smem:$0x3FBA];
	_ =	sdelay $0x3  }
0x37: {  	[smem:$0x3FBA] =	sst s10  }
0x38: {  	s10 =	sld [smem:$0x3FBB]  }
0x39: {  	_ = 	snop;
	(pc) =	sbr.ind lr, $3  }
0x3a: {  	_ = 	snop  }
0x3b: {  	_ = 	snop  }
0x3c: {  	p2 =	seq.s32 s10, $0x1;
	s10 =	sld [smem:$0x3FBA]  }
0x3d: {  	_ =	shalt  }
0x3e: {  	_ =	shalt  }
0x3f: {  	_ =	shalt  }
0x40: {  	_ =	shalt  }
0x41: {  	_ =	shalt  }
0x42: {  	_ =	shalt  }
0x43: {  	_ =	shalt  }
0x44: {  	_ =	shalt  }
0x45: {  	_ =	shalt  }
0x46: {  	_ =	shalt  }
0x47: {  	_ =	shalt  }
0x48: {  	_ =	shalt  }
0x49: {  	_ =	shalt  }
0x4a: {  	_ =	shalt  }
0x4b: {  	_ =	shalt  }
0x4c: {  	_ =	shalt  }
0x4d: {  	_ =	shalt  }
0x4e: {  	_ =	shalt  }
0x4f: {  	_ =	shalt  }
0x50: {  	_ =	shalt  }
0x51: {  	_ =	shalt  }
0x52: {  	_ =	shalt  }
0x53: {  	_ =	shalt  }
0x54: {  	_ =	shalt  }
0x55: {  	_ =	shalt  }
0x56: {  	_ =	shalt  }
0x57: {  	_ =	shalt  }
0x58: {  	_ =	shalt  }
0x59: {  	_ =	shalt  }
0x5a: {  	_ =	shalt  }
0x5b: {  	_ =	shalt  }
0x5c: {  	_ =	shalt  }
0x5d: {  	_ =	shalt  }
0x5e: {  	_ =	shalt  }
0x5f: {  	_ =	shalt  }
0x60: {  	_ =	shalt  }
0x61: {  	_ =	shalt  }
0x62: {  	_ =	shalt  }
0x63: {  	_ =	shalt  }
0x64: {  	_ =	shalt  }
0x65: {  	_ =	shalt  }
0x66: {  	_ =	shalt  }
0x67: {  	_ =	shalt  }
0x68: {  	_ =	shalt  }
0x69: {  	_ =	shalt  }
0x6a: {  	_ =	shalt  }
0x6b: {  	_ =	shalt  }
0x6c: {  	_ =	shalt  }
0x6d: {  	_ =	shalt  }
0x6e: {  	_ =	shalt  }
0x6f: {  	_ =	shalt  }
0x70: {  	_ =	shalt  }
0x71: {  	_ =	shalt  }
0x72: {  	_ =	shalt  }
0x73: {  	_ =	shalt  }
0x74: {  	_ =	shalt  }
0x75: {  	_ =	shalt  }
0x76: {  	_ =	shalt  }
0x77: {  	_ =	shalt  }
0x78: {  	_ =	shalt  }
0x79: {  	_ =	shalt  }
0x7a: {  	_ =	shalt  }
0x7b: {  	_ =	shalt  }
0x7c: {  	_ =	shalt  }
0x7d: {  	_ =	shalt  }
0x7e: {  	_ =	shalt  }
0x7f: {  	_ =	shalt  }
0x80: {  	_ =	shalt  }
0x81: {  	_ =	shalt  }
0x82: {  	_ =	shalt  }
0x83: {  	_ =	shalt  }
0x84: {  	_ =	shalt  }
0x85: {  	_ =	shalt  }
0x86: {  	_ =	shalt  }
0x87: {  	_ =	shalt  }
.Lfunc_end0:
.L_simem_size_0:
called_computation_lowered:
.L_overlay_start_0:
0x88: {  	s2 =	sld [smem:$0x3FD9]  }
0x89: {  	s3 =	sld [smem:$0x3FFE];
	_ =	sdelay $0x1  }
0x8a: {  	s1 =	srdreg.scid  }
0x8b: {  	s0 =	sand.u32 $0x1, s1  }
0x8c: {  	s17 =	sshll.u32 s0, $0xA;
	s2 =	sadd.s32 s3, s2  }
0x8d: {  	s2 =	sadd.s32 s2, s17  }
0x8e: {  	[smem:$0x3FC6] =	sst s2  }
0x8f: {  	_ = 	snop  }
0x90: {  	s2 =	sld [smem:$0x3FC9]  }
0x91: {  	s18 =	sld [smem:$0x3FD0];
	(tm) =	ssettm $0x1  }
0x92: {  	s4 =	sld [smem:$0x3FFB];
	_ =	sdelay $0x3  }
0x93: {  	_ =	strace s4  }
0x94: {  	s4 =	sld [smem:$0x3FFC];
	_ =	sdelay $0x3  }
0x95: {  	_ =	strace s4  }
0x96: {  	s4 =	sld [smem:$0x3FFD];
	_ =	sdelay $0x3  }
0x97: {  	_ =	strace s4  }
0x98: {  	_ =	strace $0x8FFFFFFF  }
0x99: {  	s19 =	sld [smem:$0x3FDB];
	_ =	sdelay $0x1  }
0x9a: {  	s5 =	simm.s32 $_scs_section_size  }
0x9b: {  	s6 =	simm.s32 $_size__tile_overlayer_lowered;
	s7 =	simm.s32 $_tile_overlayer_lowered  }
0x9c: {  	s22 =	simm.s32 $0x1BFF;
	s21 =	sshll.u32 s7, $0x1;
	s4 =	sadd.s32 s5, s19  }
0x9d: {  	s8 =	simm.s32 $0x0;
	s20 =	sshll.u32 s6, $0x1;
	s6 =	sadd.s32 s21, s4  }
0x9e: {  	[timem:s8], [sflag:s22] =	dma.local [hbm:s6], s20  }
0x9f: {  	_ =	swait.ge [sflag:s22], s20  }
0xa0: {  	s5 =	ssub.s32 $0x0, s20;
	[sflag:s22] =	ssyncset.done $0x0  }
0xa1: {  	[sflag:s22] =	ssyncadd.s32 s5;
	_ =	sdelay $0x1  }
0xa2: {  	s23 =	simm.s32 $0x1B8B  }
0xa3: {  	_ =	swait.ge [sflag:s23], $0x1  }
0xa4: {  	[sflag:s23] =	ssyncset.done $0x0  }
0xa5: {  	s25 =	simm.s32 $0x1B8E;
	s24 =	sld [smem:$0x3FFE];
	[sflag:s23] =	ssyncadd.s32 $0xFFFFFFFF  }
0xa6: {  	s26 =	simm.s32 $execute0_lowered;
	[smem:$0x3FD2] =	sst s25  }
0xa7: {  	s6 =	sshll.u32 s26, $0x1;
	_ =	strace $0x80000046;
	[dreg:$0x1] =	wrdreg $0xFFFFFFFF  }
0xa8: {  	s28 =	simm.s32 $_size_execute0_lowered;
	s4 =	sadd.s32 s4, s6;
	[dreg:$0x0] =	wrdreg $0x0  }
0xa9: {  	s6 =	sshll.u32 s28, $0x1;
	[dreg:$0x2] =	wrdreg s4  }
0xaa: {  	[dreg:$0x3] =	wrdreg s6  }
0xab: {  	[dreg:$0x4] =	wrdreg $0xC0  }
0xac: {  	_ =	task [dreg:s8], $0x5FFFF  }
0xad: {  	[dreg:$0x1] =	wrdreg $0xFFFFFFFF  }
0xae: {  	[dreg:$0x0] =	wrdreg $0x60  }
0xaf: {  	[dreg:$0x2] =	wrdreg s2  }
0xb0: {  	[dreg:$0x3] =	wrdreg s24  }
0xb1: {  	[dreg:$0x4] =	wrdreg s18  }
0xb2: {  	[dreg:$0x5] =	wrdreg $0x9  }
0xb3: {  	_ =	task.clear_ibuf [dreg:s8], $0x6FFFF;
	_ =	strace $0x90000046  }
0xb4: {  	s29 =	simm.s32 $0x9;
	_ =	strace $0x80000048  }
0xb5: {  	_ =	swait.ge [sflag:s29], $0x1  }
0xb6: {  	[sflag:s29] =	ssyncadd.s32 $0xFFFFFFFF  }
0xb7: {  	_ =	strace $0x90000048  }
0xb8: {  	_ =	sfence  }
0xb9: {  	s30 =	sld [smem:$0x0];
	_ =	sdelay $0x2  }
0xba: {  	s31 =	sshll.u32 s1, $0xD;
	s1 =	sshrl.u32 s1, $0x2  }
0xbb: {  	s3 =	sand.u32 $0x4000, s31;
	s1 =	sadd.s32 s1, s30  }
0xbc: {  	s0 =	sor.u32 s3, s0;
	s1 =	sshll.u32 s1, $0x11  }
0xbd: {  	s0 =	sor.u32 s1, s0  }
0xbe: {  	s0 =	sadd.s32 $0x8F2B, s0  }
0xbf: {  	[sflag:s0] =	ssyncadd.remote.s32 $0x1  }
0xc0: {  	_ =	sfence.sel $0xFFFF  }
0xc1: {  	[dreg:$0x0] =	wrdreg $0xFFFFFFFF;
	(pc) =	sbr.abs _section_cstart, $3  }
0xc2: {  	[dreg:$0x1] =	wrdreg $0xFFFFFFFF  }
0xc3: {  	_ =	task.clear_ibuf [dreg:s8], $0x2FFFF;
	_ =	strace $0x9FFFFFFF  }
0xc4: {  	(tm) =	ssettm $0x7FFFFFFF  }
0xc5: {  	_ =	shalt  }
tec
execute0_lowered:
.L_overlay_start_1:
0x0: {  	(tag) =	ssettag $0x1  }
0x1: {  	s0 =	rddreg [dreg:$0x0]  }
0x2: {  	s1 =	rddreg [dreg:$0x1]  }
0x3: {  	s2 =	rddreg [dreg:$0x2];
	s4 =	srdreg.scid  }
0x4: {  	s3 =	simm.s32 $0x0;
	s5 =	stileid.u32;
	s10 =	simm.s32 $0x400  }
0x5: {  	s11 =	simm.s32 $0x8000;
	s14 =	simm.s32 $0x1;
	s15 =	simm.s32 $0x2  }
0x6: {  	s16 =	simm.s32 $0x11C00;
	s17 =	simm.s32 $0x15C00;
	s4 =	sand.u32 $0x1, s4  }
0x7: {  	s18 =	simm.s32 $0x0;
	s5 =	sshll.u32 s5, $0xB;
	s6 =	sshll.u32 s4, $0xA  }
0x8: {  	[smem:$0x7FF] =	sst s3;
	s7 =	ssub.s32 $0x2, s4;
	s4 =	sor.u32 s6, s5  }
0x9: {  	s1 =	sadd.s32 $0x400, s1;
	_ =	strace $0x80000047;
	s5 =	sshrl.u32 s4, $0x3  }
0xa: {  	[dreg:$0x4] =	wrdreg s1;
	s29 =	sshrl.u32 s7, $0x1;
	s6 =	sadd.s32 s0, s5  }
0xb: {  	s1 =	ssub.s32 s7, s29;
	s30 =	sadd.s32 s5, s2;
	s31 =	sadd.s32 $0x6000, s6  }
0xc: {  	s9 =	smax.u32 s1, $0x1;
	s8 =	sadd.s32 $0x180000, s30;
	[dreg:$0x5] =	wrdreg s31  }
.LBB2_1:
0xd: {  	s0 =	rddreg [dreg:$0x4]  }
0xe: {  	[tilespmem:s3], [sflag:$0x1] =	stream.linear.gather [hbm4b:s0+s3], $0x10000, $0x38;
	[tilespmem:$0x19C00] =	vst v63  }
0xf: {  	s30 =	simm.s32 $0x10000  }
0x10: {  	[tilespmem:s30], [sflag:$0x2] =	stream.strided.gather [hbm4b:s6+s10], $0x1800, s11, s10, $0x38;
	[tilespmem:$0x19C00] =	vst v63  }
0x11: {  	s31 =	rddreg [dreg:$0x5];
	s1 =	simm.s32 $0x11800  }
0x12: {  	[tilespmem:s1], [sflag:$0x2] =	stream.linear.gather [hbm4b:s31+s3], $0x100, $0x38;
	[tilespmem:$0x19C00] =	vst v63  }
0x13: {  	_ =	swait.ge [sflag:s14], $0x10000  }
0x14: {  	[sflag:s14] =	ssyncset.done $0x0  }
0x15: {  	[sflag:s14] =	ssyncadd.s32 $0xFFFF0000  }
0x16: {  	_ =	swait.ge [sflag:s15], $0x1900  }
0x17: {  	[sflag:s15] =	ssyncset.done $0x0  }
0x18: {  	s19 =	simm.s32 $0x0;
	[sflag:s15] =	ssyncadd.s32 $0xFFFFE700  }
.LBB2_2:
0x19: {  	p0 =	seq.s32 s19, $0x0  }
0x1a: {  	s0 =	simm.s32 @!p0 $0x1  }
0x1b: {  	_ =	swait.ge @!p0 [sflag:s0], $0x4000  }
0x1c: {  	s1 =	sshll.u32 s19, $0x9;
	[sflag:s0] =	ssyncset.done @!p0 $0x0  }
0x1d: {  	s20 =	sand.u32 $0x3FFFFE00, s1;
	[sflag:s0] =	ssyncadd.s32 @!p0 $0xFFFFC000  }
0x1e: {  	v3 =	vld [tilespmem:s20+$0x10000];
	_ =	sdelay $0x3  }
0x1f: {  	s30 =	simm.s32 $0x400  }
0x20: {  	s12 =	simm.s32 $0x800;
	v4 =	vld [tilespmem:s20+$0x10010];
	v0 =	vadd.s32 s30, v3  }
0x21: {  	v5 =	vld [tilespmem:s20+$0x10020];
	v8 =	vadd.s32 s12, v3  }
0x22: {  	v6 =	vld [tilespmem:s20+$0x10030]  }
0x23: {  	v7 =	vld [tilespmem:s20+$0x10040]  }
0x24: {  	s31 =	simm.s32 $0xC00;
	v2 =	vld [tilespmem:s20+$0x10050]  }
0x25: {  	v9 =	vadd.s32 s31, v3;
	v10 =	vld.idx.msk [tilespmem:v0+s3+$0x0], $0xffff  }
0x26: {  	v11 =	vadd.s32 s30, v4;
	v8 =	vld.idx.msk [tilespmem:v8+s3+$0x0], $0xffff  }
0x27: {  	v13 =	vadd.s32 s12, v4;
	v12 =	vld.idx.msk [tilespmem:v3+s3+$0x0], $0xffff  }
0x28: {  	v1 =	vld [tilespmem:s20+$0x10060]  }
0x29: {  	s21 =	simm.s32 $0x11D00;
	v0 =	vld [tilespmem:s20+$0x10070]  }
0x2a: {  	v9 =	vld.idx.msk [tilespmem:v9+s3+$0x0], $0xffff;
	[tilespmem:s21+$0xFFFFFF80] =	vst v10  }
0x2b: {  	v14 =	vadd.s32 s31, v4;
	[tilespmem:s21+$0x0] =	vst v8;
	v10 =	vld.idx.msk [tilespmem:v11+s3+$0x0], $0xffff  }
0x2c: {  	[tilespmem:s21+$0xFFFFFF00] =	vst v12;
	v8 =	vld.idx.msk [tilespmem:v13+s3+$0x0], $0xffff;
	v11 =	vadd.s32 s30, v5  }
0x2d: {  	v12 =	vld.idx.msk [tilespmem:v4+s3+$0x0], $0xffff;
	v13 =	vadd.s32 s12, v5;
	_ =	sdelay $0x1  }
0x2e: {  	[tilespmem:s21+$0x80] =	vst v9  }
0x2f: {  	s23 =	simm.s32 $0x1400;
	v9 =	vld.idx.msk [tilespmem:v14+s3+$0x0], $0xffff;
	[tilespmem:s21+$0xFFFFFF90] =	vst v10  }
0x30: {  	v17 =	vadd.s32 s23, v3;
	[tilespmem:s21+$0x10] =	vst v8;
	v10 =	vld.idx.msk [tilespmem:v11+s3+$0x0], $0xffff  }
0x31: {  	[tilespmem:s21+$0xFFFFFF10] =	vst v12;
	v12 =	vadd.s32 s30, v6;
	v11 =	vld.idx.msk [tilespmem:v13+s3+$0x0], $0xffff  }
0x32: {  	v15 =	vadd.s32 s12, v6;
	v13 =	vld.idx.msk [tilespmem:v5+s3+$0x0], $0xffff  }
0x33: {  	v14 =	vadd.s32 s31, v5  }
0x34: {  	[tilespmem:s21+$0x90] =	vst v9  }
0x35: {  	v17 =	vld.idx.msk [tilespmem:v17+s3+$0x0], $0xffff;
	[tilespmem:s21+$0xFFFFFFA0] =	vst v10  }
0x36: {  	v21 =	vadd.s32 s23, v4;
	[tilespmem:s21+$0x20] =	vst v11;
	v12 =	vld.idx.msk [tilespmem:v12+s3+$0x0], $0xffff  }
0x37: {  	[tilespmem:s21+$0xFFFFFF20] =	vst v13;
	v13 =	vadd.s32 s30, v7;
	v11 =	vld.idx.msk [tilespmem:v15+s3+$0x0], $0xffff  }
0x38: {  	s22 =	simm.s32 $0x0;
	v16 =	vadd.s32 s12, v7;
	v8 =	vadd.s32 $0x1000, v3;
	v9 =	vld.idx.msk [tilespmem:v14+s3+$0x0], $0xffff  }
0x39: {  	s26 =	simm.s32 $0x11F00;
	v14 =	vadd.s32 s22, v8;
	v15 =	vld.idx.msk [tilespmem:v6+s3+$0x0], $0xffff  }
0x3a: {  	s24 =	simm.s32 $0x1800;
	[tilespmem:s26+$0xFFFFFF80] =	vst v17;
	v10 =	vadd.s32 s31, v6  }
0x3b: {  	v21 =	vld.idx.msk [tilespmem:v21+s3+$0x0], $0xffff;
	[tilespmem:s21+$0xFFFFFFB0] =	vst v12;
	v12 =	vadd.s32 s24, v3  }
0x3c: {  	s25 =	simm.s32 $0x1C00;
	[tilespmem:s21+$0x30] =	vst v11;
	v13 =	vld.idx.msk [tilespmem:v13+s3+$0x0], $0xffff  }
0x3d: {  	[tilespmem:s21+$0xA0] =	vst v9;
	v11 =	vadd.s32 s25, v3;
	v16 =	vld.idx.msk [tilespmem:v16+s3+$0x0], $0xffff  }
0x3e: {  	v14 =	vld.idx.msk [tilespmem:v14+s3+$0x0], $0xffff;
	[tilespmem:s21+$0xFFFFFF30] =	vst v15;
	v15 =	vadd.s32 s30, v2  }
0x3f: {  	v19 =	vadd.s32 s12, v2;
	v9 =	vadd.s32 $0x1000, v4;
	v10 =	vld.idx.msk [tilespmem:v10+s3+$0x0], $0xffff  }
0x40: {  	[tilespmem:s26+$0xFFFFFF90] =	vst v21;
	v20 =	vadd.s32 s22, v9;
	v12 =	vld.idx.msk [tilespmem:v12+s3+$0x0], $0xffff  }
0x41: {  	v18 =	vld.idx.msk [tilespmem:v7+s3+$0x0], $0xffff;
	[tilespmem:s21+$0xFFFFFFC0] =	vst v13;
	v13 =	vadd.s32 s24, v4  }
0x42: {  	v11 =	vld.idx.msk [tilespmem:v11+s3+$0x0], $0xffff;
	[tilespmem:s21+$0x40] =	vst v16;
	v16 =	vadd.s32 s31, v7  }
0x43: {  	[tilespmem:s26+$0xFFFFFF00] =	vst v14;
	v14 =	vadd.s32 s25, v4;
	v15 =	vld.idx.msk [tilespmem:v15+s3+$0x0], $0xffff  }
0x44: {  	v17 =	vadd.s32 s30, v1;
	[tilespmem:s21+$0xB0] =	vst v10;
	v19 =	vld.idx.msk [tilespmem:v19+s3+$0x0], $0xffff  }
0x45: {  	v22 =	vadd.s32 s23, v5;
	v20 =	vld.idx.msk [tilespmem:v20+s3+$0x0], $0xffff;
	v10 =	vadd.s32 $0x1000, v5;
	[tilespmem:s26+$0x0] =	vst v12  }
0x46: {  	[tilespmem:s21+$0xFFFFFF40] =	vst v18;
	v18 =	vadd.s32 s22, v10;
	v13 =	vld.idx.msk [tilespmem:v13+s3+$0x0], $0xffff  }
0x47: {  	v12 =	vadd.s32 s12, v1;
	[tilespmem:s26+$0x80] =	vst v11;
	v11 =	vld.idx.msk [tilespmem:v16+s3+$0x0], $0xffff  }
0x48: {  	v16 =	vadd.s32 s24, v5;
	v14 =	vld.idx.msk [tilespmem:v14+s3+$0x0], $0xffff;
	[tilespmem:s21+$0xFFFFFFD0] =	vst v15  }
0x49: {  	[tilespmem:s21+$0x50] =	vst v19;
	v19 =	vadd.s32 s25, v5;
	v15 =	vld.idx.msk [tilespmem:v17+s3+$0x0], $0xffff  }
0x4a: {  	v21 =	vld.idx.msk [tilespmem:v22+s3+$0x0], $0xffff;
	[tilespmem:s26+$0xFFFFFF10] =	vst v20;
	v20 =	vadd.s32 s30, v0  }
0x4b: {  	v18 =	vld.idx.msk [tilespmem:v18+s3+$0x0], $0xffff;
	v17 =	vadd.s32 s31, v2;
	[tilespmem:s26+$0x10] =	vst v13  }
0x4c: {  	v12 =	vld.idx.msk [tilespmem:v12+s3+$0x0], $0xffff;
	[tilespmem:s21+$0xC0] =	vst v11  }
0x4d: {  	v22 =	vadd.s32 s12, v0;
	[tilespmem:s26+$0x90] =	vst v14;
	v16 =	vld.idx.msk [tilespmem:v16+s3+$0x0], $0xffff  }
0x4e: {  	v11 =	vadd.s32 s23, v6;
	v13 =	vadd.s32 $0x1000, v6;
	v19 =	vld.idx.msk [tilespmem:v19+s3+$0x0], $0xffff;
	[tilespmem:s21+$0xFFFFFFE0] =	vst v15  }
0x4f: {  	v24 =	vadd.s32 s22, v13;
	v15 =	vld.idx.msk [tilespmem:v20+s3+$0x0], $0xffff  }
0x50: {  	[tilespmem:s26+$0xFFFFFFA0] =	vst v21;
	v14 =	vld.idx.msk [tilespmem:v17+s3+$0x0], $0xffff;
	v17 =	vadd.s32 s24, v6  }
0x51: {  	v20 =	vld.idx.msk [tilespmem:v2+s3+$0x0], $0xffff;
	[tilespmem:s21+$0x60] =	vst v12;
	v12 =	vadd.s32 s31, v1  }
0x52: {  	s28 =	simm.s32 $0x1000;
	[tilespmem:s26+$0xFFFFFF20] =	vst v18;
	v18 =	vadd.s32 s25, v6;
	v29 =	vld.idx.msk [tilespmem:v22+s3+$0x0], $0xffff  }
0x53: {  	v28 =	vadd.s32 s28, v8;
	v23 =	vld.idx.msk [tilespmem:v11+s3+$0x0], $0xffff;
	[tilespmem:s26+$0x20] =	vst v16  }
0x54: {  	v24 =	vld.idx.msk [tilespmem:v24+s3+$0x0], $0xffff;
	[tilespmem:s21+$0xFFFFFFF0] =	vst v15;
	v15 =	vmov v1  }
0x55: {  	v26 =	vadd.s32 s23, v7;
	v27 =	vadd.s32 s24, v7;
	v22 =	vld.idx.msk [tilespmem:v17+s3+$0x0], $0xffff;
	[tilespmem:s21+$0xD0] =	vst v14  }
0x56: {  	v21 =	vadd.s32 s31, v0;
	v16 =	vadd.s32 $0x1000, v7;
	[tilespmem:s26+$0xA0] =	vst v19;
	v17 =	vadd.s32 $0x1000, v0;
	v19 =	vld.idx.msk [tilespmem:v12+s3+$0x0], $0xffff  }
0x57: {  	s29 =	simm.s32 $0x4;
	s1 =	simm.s32 $0x2000;
	s0 =	simm.s32 $0x11F00;
	v11 =	vmovc v0;
	v14 =	vadd.s32 $0x1000, v2;
	v25 =	vld.idx.msk [tilespmem:v18+s3+$0x0], $0xffff;
	v18 =	vadd.s32 s22, v17;
	v12 =	vadd.s32 $0x1000, v1;
	[tilespmem:s21+$0x70] =	vst v29  }
.LBB2_3:
0x58: {  	v28 =	vld.idx.msk [tilespmem:v28+s3+$0x0], $0xffff;
	s13 =	sadd.s32 $0x400, s1;
	s29 =	sadd.s32 $0x4, s29;
	v29 =	vadd.s32 s22, v16;
	v30 =	vadd.s32 s22, v14;
	[tilespmem:s21+$0xFFFFFF50] =	vst v20;
	v20 =	vadd.s32 s22, v12;
	s22 =	smov.u32 s28  }
0x59: {  	s30 =	sadd.s32 $0x800, s1;
	s28 =	smov.u32 s1;
	v31 =	vadd.s32 s13, v3;
	p1 =	slt.u32 s29, $0x3C;
	[tilespmem:s26+$0xFFFFFFB0] =	vst v23;
	v23 =	vld.idx.msk [tilespmem:v15+s3+$0x0], $0xffff;
	v15 =	vmov v20  }
0x5a: {  	s12 =	sadd.s32 $0xC00, s1;
	v20 =	vadd.s32 s30, v3;
	v26 =	vld.idx.msk [tilespmem:v26+s3+$0x0], $0xffff;
	[tilespmem:s26+$0x30] =	vst v22  }
0x5b: {  	v32 =	vadd.s32 s22, v9;
	v22 =	vadd.s32 s12, v3;
	v27 =	vld.idx.msk [tilespmem:v27+s3+$0x0], $0xffff;
	[tilespmem:s21+$0xE0] =	vst v19  }
0x5c: {  	[tilespmem:s26+$0xFFFFFF30] =	vst v24;
	v19 =	vld.idx.msk [tilespmem:v21+s3+$0x0], $0xffff  }
0x5d: {  	v24 =	vadd.s32 s23, v2;
	s26 =	sadd.s32 $0x200, s26;
	v21 =	vld.idx.msk [tilespmem:v29+s3+$0x0], $0xffff;
	[tilespmem:s0+$0xB0] =	vst v25  }
0x5e: {  	[tilespmem:s26+$0xFFFFFF00] =	vst v28;
	v25 =	vld.idx.msk [tilespmem:v31+s3+$0x0], $0xffff;
	v28 =	vadd.s32 s24, v2  }
0x5f: {  	v20 =	vld.idx.msk [tilespmem:v20+s3+$0x0], $0xffff;
	[tilespmem:s21+$0xFFFFFF60] =	vst v23  }
0x60: {  	v23 =	vadd.s32 s13, v4;
	[tilespmem:s0+$0xFFFFFFC0] =	vst v26;
	v26 =	vld.idx.msk [tilespmem:v11+s3+$0x0], $0xffff;
	v11 =	vmov v18  }
0x61: {  	v18 =	vadd.s32 s30, v4;
	v22 =	vld.idx.msk [tilespmem:v22+s3+$0x0], $0xffff;
	[tilespmem:s0+$0x40] =	vst v27  }
0x62: {  	v27 =	vadd.s32 s25, v7;
	v24 =	vld.idx.msk [tilespmem:v24+s3+$0x0], $0xffff;
	[tilespmem:s21+$0xF0] =	vst v19  }
0x63: {  	v19 =	vadd.s32 s12, v4;
	[tilespmem:s0+$0xFFFFFF40] =	vst v21;
	v21 =	vld.idx.msk [tilespmem:v28+s3+$0x0], $0xffff  }
0x64: {  	v28 =	vld.idx.msk [tilespmem:v32+s3+$0x0], $0xffff;
	[tilespmem:s26+$0xFFFFFF80] =	vst v25;
	v25 =	vadd.s32 s23, v1  }
0x65: {  	v23 =	vld.idx.msk [tilespmem:v23+s3+$0x0], $0xffff;
	[tilespmem:s26+$0x0] =	vst v20;
	v20 =	vadd.s32 s24, v1  }
0x66: {  	v29 =	vadd.s32 s22, v10;
	v18 =	vld.idx.msk [tilespmem:v18+s3+$0x0], $0xffff;
	[tilespmem:s21+$0xFFFFFF70] =	vst v26;
	s21 =	smov.u32 s0;
	s0 =	smov.u32 s26  }
0x67: {  	v26 =	vadd.s32 s13, v5;
	[tilespmem:s26+$0x80] =	vst v22;
	v22 =	vld.idx.msk [tilespmem:v27+s3+$0x0], $0xffff  }
0x68: {  	v27 =	vadd.s32 s30, v5;
	v19 =	vld.idx.msk [tilespmem:v19+s3+$0x0], $0xffff;
	[tilespmem:s21+$0xFFFFFFD0] =	vst v24  }
0x69: {  	v24 =	vld.idx.msk [tilespmem:v25+s3+$0x0], $0xffff;
	[tilespmem:s21+$0x50] =	vst v21;
	v21 =	vadd.s32 s25, v2  }
0x6a: {  	v25 =	vadd.s32 s12, v5;
	[tilespmem:s26+$0xFFFFFF10] =	vst v28;
	v20 =	vld.idx.msk [tilespmem:v20+s3+$0x0], $0xffff  }
0x6b: {  	v28 =	vld.idx.msk [tilespmem:v29+s3+$0x0], $0xffff;
	[tilespmem:s26+$0xFFFFFF90] =	vst v23;
	v23 =	vadd.s32 s23, v0;
	s23 =	smov.u32 s13  }
0x6c: {  	v26 =	vld.idx.msk [tilespmem:v26+s3+$0x0], $0xffff;
	[tilespmem:s26+$0x10] =	vst v18;
	v18 =	vadd.s32 s24, v0;
	s24 =	smov.u32 s30  }
0x6d: {  	v29 =	vadd.s32 s22, v13;
	v27 =	vld.idx.msk [tilespmem:v27+s3+$0x0], $0xffff;
	[tilespmem:s21+$0xC0] =	vst v22  }
0x6e: {  	v22 =	vadd.s32 s23, v6;
	[tilespmem:s26+$0x90] =	vst v19;
	v19 =	vld.idx.msk [tilespmem:v21+s3+$0x0], $0xffff  }
0x6f: {  	v21 =	vadd.s32 s24, v6;
	v25 =	vld.idx.msk [tilespmem:v25+s3+$0x0], $0xffff;
	[tilespmem:s21+$0xFFFFFFE0] =	vst v24  }
0x70: {  	v24 =	vadd.s32 s25, v1;
	v31 =	vld.idx.msk [tilespmem:v23+s3+$0x0], $0xffff;
	[tilespmem:s21+$0x60] =	vst v20  }
0x71: {  	[tilespmem:s26+$0xFFFFFF20] =	vst v28;
	v32 =	vld.idx.msk [tilespmem:v18+s3+$0x0], $0xffff  }
0x72: {  	v18 =	vadd.s32 s12, v6;
	[tilespmem:s26+$0xFFFFFFA0] =	vst v26;
	v20 =	vld.idx.msk [tilespmem:v30+s3+$0x0], $0xffff  }
.Ltmp0:
0x73: {  	v28 =	vadd.s32 s1, v8;
	v23 =	vld.idx.msk [tilespmem:v22+s3+$0x0], $0xffff;
	[tilespmem:s26+$0x20] =	vst v27;
	(pc) =	sbr.rel @p1 .LBB2_3-.Ltmp0, $4  }
0x74: {  	v22 =	vld.idx.msk [tilespmem:v21+s3+$0x0], $0xffff;
	[tilespmem:s21+$0xD0] =	vst v19  }
0x75: {  	v26 =	vadd.s32 s23, v7;
	[tilespmem:s26+$0xA0] =	vst v25;
	v19 =	vld.idx.msk [tilespmem:v24+s3+$0x0], $0xffff  }
0x76: {  	v27 =	vadd.s32 s24, v7;
	v24 =	vld.idx.msk [tilespmem:v29+s3+$0x0], $0xffff;
	[tilespmem:s21+$0xFFFFFFF0] =	vst v31  }
0x77: {  	s1 =	sadd.s32 $0x1000, s1;
	v21 =	vadd.s32 s25, v0;
	s25 =	smov.u32 s12;
	v25 =	vld.idx.msk [tilespmem:v18+s3+$0x0], $0xffff;
	v18 =	vadd.s32 s22, v17;
	[tilespmem:s21+$0x70] =	vst v32  }
0x78: {  	_ = 	snop  }
0x79: {  	v3 =	vadd.s32 s25, v7  }
0x7a: {  	v4 =	vadd.s32 s22, v16  }
0x7b: {  	[tilespmem:s26+$0xFFFFFFB0] =	vst v23  }
0x7c: {  	v5 =	vld.idx.msk [tilespmem:v26+s3+$0x0], $0xffff;
	[tilespmem:s26+$0x30] =	vst v22  }
0x7d: {  	v7 =	vadd.s32 s23, v2;
	v6 =	vld.idx.msk [tilespmem:v27+s3+$0x0], $0xffff;
	[tilespmem:s0+$0xB0] =	vst v25  }
0x7e: {  	v8 =	vadd.s32 s24, v2;
	[tilespmem:s26+$0xFFFFFF30] =	vst v24;
	v3 =	vld.idx.msk [tilespmem:v3+s3+$0x0], $0xffff  }
0x7f: {  	v2 =	vadd.s32 s25, v2;
	v4 =	vld.idx.msk [tilespmem:v4+s3+$0x0], $0xffff  }
0x80: {  	v9 =	vadd.s32 s22, v14  }
0x81: {  	[tilespmem:s0+$0xFFFFFFC0] =	vst v5  }
0x82: {  	[tilespmem:s0+$0x40] =	vst v6;
	v5 =	vld.idx.msk [tilespmem:v7+s3+$0x0], $0xffff  }
0x83: {  	v7 =	vadd.s32 s23, v1;
	v6 =	vld.idx.msk [tilespmem:v8+s3+$0x0], $0xffff;
	[tilespmem:s0+$0xC0] =	vst v3  }
0x84: {  	[tilespmem:s0+$0xFFFFFF40] =	vst v4;
	v3 =	vadd.s32 s24, v1;
	v2 =	vld.idx.msk [tilespmem:v2+s3+$0x0], $0xffff  }
0x85: {  	v1 =	vadd.s32 s25, v1;
	v4 =	vld.idx.msk [tilespmem:v9+s3+$0x0], $0xffff  }
0x86: {  	[tilespmem:s21+$0xFFFFFF50] =	vst v20;
	v8 =	vadd.s32 s22, v12  }
0x87: {  	v9 =	vld.idx.msk [tilespmem:v15+s3+$0x0], $0xffff;
	[tilespmem:s0+$0xFFFFFFD0] =	vst v5  }
0x88: {  	v5 =	vld.idx.msk [tilespmem:v7+s3+$0x0], $0xffff;
	[tilespmem:s0+$0x50] =	vst v6  }
0x89: {  	v6 =	vadd.s32 s23, v0;
	v3 =	vld.idx.msk [tilespmem:v3+s3+$0x0], $0xffff;
	[tilespmem:s0+$0xD0] =	vst v2  }
0x8a: {  	v2 =	vadd.s32 s24, v0;
	[tilespmem:s0+$0xFFFFFF50] =	vst v4;
	v1 =	vld.idx.msk [tilespmem:v1+s3+$0x0], $0xffff  }
0x8b: {  	[tilespmem:s21+$0xE0] =	vst v19;
	v0 =	vadd.s32 s25, v0;
	v4 =	vld.idx.msk [tilespmem:v8+s3+$0x0], $0xffff  }
0x8c: {  	v7 =	vld.idx.msk [tilespmem:v21+s3+$0x0], $0xffff;
	[tilespmem:s21+$0xFFFFFF60] =	vst v9  }
0x8d: {  	v8 =	vld.idx.msk [tilespmem:v11+s3+$0x0], $0xffff;
	[tilespmem:s0+$0xFFFFFFE0] =	vst v5  }
0x8e: {  	v5 =	vld.idx.msk [tilespmem:v6+s3+$0x0], $0xffff;
	[tilespmem:s0+$0x60] =	vst v3  }
0x8f: {  	v2 =	vld.idx.msk [tilespmem:v2+s3+$0x0], $0xffff;
	[tilespmem:s0+$0xE0] =	vst v1  }
0x90: {  	[tilespmem:s0+$0xFFFFFF60] =	vst v4;
	v0 =	vld.idx.msk [tilespmem:v0+s3+$0x0], $0xffff  }
0x91: {  	[tilespmem:s21+$0xF0] =	vst v7;
	v1 =	vld.idx.msk [tilespmem:v18+s3+$0x0], $0xffff  }
0x92: {  	[tilespmem:s21+$0xFFFFFF70] =	vst v8  }
0x93: {  	[tilespmem:s0+$0xFFFFFFF0] =	vst v5  }
0x94: {  	[tilespmem:s0+$0x70] =	vst v2  }
0x95: {  	[tilespmem:s0+$0xF0] =	vst v0  }
0x96: {  	[tilespmem:s0+$0xFFFFFF70] =	vst v1  }
0x97: {  	v6 =	vld [tilespmem:s20+$0x10080];
	_ =	sdelay $0x3  }
0x98: {  	s22 =	simm.s32 $0x400  }
0x99: {  	s28 =	simm.s32 $0xC00;
	v0 =	vadd.s32 s22, v6  }
0x9a: {  	v7 =	vld [tilespmem:s20+$0x10090];
	v8 =	vadd.s32 s28, v6  }
0x9b: {  	v5 =	vld [tilespmem:s20+$0x100A0]  }
0x9c: {  	v4 =	vld [tilespmem:s20+$0x100B0]  }
0x9d: {  	v3 =	vld [tilespmem:s20+$0x100C0]  }
0x9e: {  	s21 =	simm.s32 $0x800;
	v9 =	vld.idx.msk [tilespmem:v0+s3+$0x0], $0xffff  }
0x9f: {  	v11 =	vadd.s32 s21, v6;
	v8 =	vld.idx.msk [tilespmem:v8+s3+$0x0], $0xffff  }
0xa0: {  	v2 =	vld [tilespmem:s20+$0x100D0];
	v10 =	vadd.s32 s22, v7  }
0xa1: {  	v1 =	vld [tilespmem:s20+$0x100E0]  }
0xa2: {  	v12 =	vadd.s32 s28, v7;
	v0 =	vld [tilespmem:s20+$0x100F0];
	s20 =	simm.s32 $0x13DF0  }
0xa3: {  	[tilespmem:s20+$0xFFFFFE90] =	vst v9  }
0xa4: {  	[tilespmem:s20+$0xFFFFFF90] =	vst v8;
	v8 =	vld.idx.msk [tilespmem:v11+s3+$0x0], $0xffff  }
0xa5: {  	v11 =	vadd.s32 s21, v7;
	v9 =	vld.idx.msk [tilespmem:v10+s3+$0x0], $0xffff  }
0xa6: {  	v10 =	vadd.s32 s22, v5  }
0xa7: {  	v12 =	vld.idx.msk [tilespmem:v12+s3+$0x0], $0xffff  }
0xa8: {  	s23 =	simm.s32 $0x0;
	v13 =	vadd.s32 s28, v5  }
0xa9: {  	v14 =	vadd.s32 s23, v6;
	[tilespmem:s20+$0xFFFFFF10] =	vst v8  }
0xaa: {  	[tilespmem:s20+$0xFFFFFEA0] =	vst v9;
	v8 =	vld.idx.msk [tilespmem:v11+s3+$0x0], $0xffff  }
0xab: {  	v9 =	vld.idx.msk [tilespmem:v10+s3+$0x0], $0xffff  }
0xac: {  	[tilespmem:s20+$0xFFFFFFA0] =	vst v12;
	v12 =	vadd.s32 s21, v5  }
0xad: {  	v10 =	vadd.s32 s22, v4;
	v11 =	vld.idx.msk [tilespmem:v13+s3+$0x0], $0xffff  }
0xae: {  	v13 =	vld.idx.msk [tilespmem:v14+s3+$0x0], $0xffff;
	v14 =	vadd.s32 s28, v4  }
0xaf: {  	s24 =	simm.s32 $0x1C00;
	v15 =	vadd.s32 s23, v7;
	[tilespmem:s20+$0xFFFFFF20] =	vst v8  }
0xb0: {  	s25 =	simm.s32 $0x1400;
	[tilespmem:s20+$0xFFFFFEB0] =	vst v9;
	v9 =	vadd.s32 s24, v6  }
0xb1: {  	v16 =	vadd.s32 s25, v6;
	v12 =	vld.idx.msk [tilespmem:v12+s3+$0x0], $0xffff  }
0xb2: {  	[tilespmem:s20+$0xFFFFFFB0] =	vst v11;
	v11 =	vadd.s32 s21, v4;
	v10 =	vld.idx.msk [tilespmem:v10+s3+$0x0], $0xffff  }
0xb3: {  	v8 =	vadd.s32 s22, v3;
	[tilespmem:s20+$0xFFFFFE10] =	vst v13;
	v13 =	vld.idx.msk [tilespmem:v14+s3+$0x0], $0xffff  }
0xb4: {  	s26 =	simm.s32 $0x1800;
	v14 =	vld.idx.msk [tilespmem:v15+s3+$0x0], $0xffff;
	v15 =	vadd.s32 s28, v3  }
0xb5: {  	v17 =	vadd.s32 s26, v6;
	v9 =	vld.idx.msk [tilespmem:v9+s3+$0x0], $0xffff  }
0xb6: {  	[tilespmem:s20+$0xFFFFFF30] =	vst v12;
	v12 =	vld.idx.msk [tilespmem:v16+s3+$0x0], $0xffff  }
0xb7: {  	[tilespmem:s20+$0xFFFFFEC0] =	vst v10;
	v10 =	vadd.s32 s23, v5;
	v11 =	vld.idx.msk [tilespmem:v11+s3+$0x0], $0xffff  }
0xb8: {  	v18 =	vadd.s32 s24, v7;
	[tilespmem:s20+$0xFFFFFFC0] =	vst v13;
	v8 =	vld.idx.msk [tilespmem:v8+s3+$0x0], $0xffff  }
0xb9: {  	s31 =	simm.s32 $0x13FF0;
	v16 =	vadd.s32 s25, v7;
	[tilespmem:s20+$0xFFFFFE20] =	vst v14;
	v14 =	vld.idx.msk [tilespmem:v15+s3+$0x0], $0xffff  }
0xba: {  	v13 =	vadd.s32 s22, v2;
	v15 =	vld.idx.msk [tilespmem:v17+s3+$0x0], $0xffff;
	[tilespmem:s31+$0xFFFFFF90] =	vst v9  }
0xbb: {  	v17 =	vadd.s32 s26, v7;
	[tilespmem:s31+$0xFFFFFE90] =	vst v12  }
0xbc: {  	v9 =	vld.idx.msk [tilespmem:v10+s3+$0x0], $0xffff;
	v10 =	vadd.s32 s28, v2;
	[tilespmem:s20+$0xFFFFFF40] =	vst v11  }
0xbd: {  	v18 =	vld.idx.msk [tilespmem:v18+s3+$0x0], $0xffff;
	[tilespmem:s20+$0xFFFFFED0] =	vst v8;
	v8 =	vadd.s32 s23, v4  }
0xbe: {  	v19 =	vadd.s32 s24, v5;
	v11 =	vld.idx.msk [tilespmem:v16+s3+$0x0], $0xffff;
	[tilespmem:s20+$0xFFFFFFD0] =	vst v14  }
0xbf: {  	v14 =	vadd.s32 s21, v3;
	[tilespmem:s31+$0xFFFFFF10] =	vst v15;
	v13 =	vld.idx.msk [tilespmem:v13+s3+$0x0], $0xffff  }
0xc0: {  	v21 =	vadd.s32 s25, v5;
	v12 =	vld.idx.msk [tilespmem:v17+s3+$0x0], $0xffff  }
0xc1: {  	s30 =	simm.s32 $0x1000;
	v20 =	vadd.s32 s22, v1;
	[tilespmem:s20+$0xFFFFFE30] =	vst v9;
	v16 =	vld.idx.msk [tilespmem:v10+s3+$0x0], $0xffff  }
0xc2: {  	[tilespmem:s31+$0xFFFFFFA0] =	vst v18;
	v10 =	vadd.s32 s30, v6;
	v15 =	vld.idx.msk [tilespmem:v8+s3+$0x0], $0xffff  }
0xc3: {  	[tilespmem:s31+$0xFFFFFEA0] =	vst v11;
	v18 =	vadd.s32 s28, v1;
	v11 =	vld.idx.msk [tilespmem:v19+s3+$0x0], $0xffff  }
0xc4: {  	v17 =	vadd.s32 s23, v3;
	v19 =	vadd.s32 s26, v5;
	v14 =	vld.idx.msk [tilespmem:v14+s3+$0x0], $0xffff  }
0xc5: {  	s1 =	simm.s32 $0x2C00;
	s29 =	simm.s32 $0x13FF0;
	s0 =	simm.s32 $0x4;
	v9 =	vadd.s32 s30, v7;
	v8 =	vadd.s32 s25, v4;
	[tilespmem:s20+$0xFFFFFEE0] =	vst v13;
	v13 =	vld.idx.msk [tilespmem:v21+s3+$0x0], $0xffff  }
.LBB2_5:
0xc6: {  	s12 =	sadd.s32 $0xFFFFF400, s1;
	v21 =	vadd.s32 s1, v6;
	s0 =	sadd.s32 $0x4, s0;
	v20 =	vld.idx.msk [tilespmem:v20+s3+$0x0], $0xffff;
	[tilespmem:s20+$0xFFFFFFE0] =	vst v16  }
0xc7: {  	s5 =	sadd.s32 $0xFFFFF800, s1;
	p1 =	slt.u32 s0, $0x3C;
	v16 =	vld.idx.msk [tilespmem:v10+s3+$0x0], $0xffff;
	v10 =	vadd.s32 s12, v6;
	[tilespmem:s20+$0xFFFFFE40] =	vst v15  }
0xc8: {  	s13 =	sadd.s32 $0xFFFFFC00, s1;
	v15 =	vadd.s32 s5, v6;
	v22 =	vadd.s32 s5, v4;
	[tilespmem:s31+$0xFFFFFF20] =	vst v12;
	v12 =	vadd.s32 s21, v2;
	v18 =	vld.idx.msk [tilespmem:v18+s3+$0x0], $0xffff  }
0xc9: {  	v23 =	vadd.s32 s13, v6;
	v19 =	vld.idx.msk [tilespmem:v19+s3+$0x0], $0xffff;
	[tilespmem:s31+$0xFFFFFFB0] =	vst v11  }
0xca: {  	[tilespmem:s31+$0xFFFFFEB0] =	vst v13;
	v11 =	vld.idx.msk [tilespmem:v17+s3+$0x0], $0xffff;
	v13 =	vadd.s32 s28, v0;
	s28 =	smov.u32 s24;
	s24 =	smov.u32 s1  }
0xcb: {  	v17 =	vld.idx.msk [tilespmem:v8+s3+$0x0], $0xffff;
	v24 =	vadd.s32 s28, v4;
	[tilespmem:s20+$0xFFFFFF50] =	vst v14;
	v8 =	vmov v22  }
0xcc: {  	v14 =	vld.idx.msk [tilespmem:v21+s3+$0x0], $0xffff;
	v21 =	vadd.s32 s23, v2;
	[tilespmem:s20+$0xFFFFFEF0] =	vst v20  }
0xcd: {  	v20 =	vadd.s32 s1, v7;
	[tilespmem:s31+$0xFFFFFE10] =	vst v16;
	v16 =	vadd.s32 s25, v3;
	v12 =	vld.idx.msk [tilespmem:v12+s3+$0x0], $0xffff  }
0xce: {  	v22 =	vld.idx.msk [tilespmem:v9+s3+$0x0], $0xffff;
	v9 =	vadd.s32 s12, v7;
	[tilespmem:s20+$0xFFFFFFF0] =	vst v18  }
0xcf: {  	v18 =	vadd.s32 s5, v7;
	[tilespmem:s31+$0xFFFFFF30] =	vst v19;
	v19 =	vadd.s32 s26, v4;
	v13 =	vld.idx.msk [tilespmem:v13+s3+$0x0], $0xffff  }
0xd0: {  	v25 =	vadd.s32 s13, v7;
	s31 =	sadd.s32 $0x200, s31;
	v24 =	vld.idx.msk [tilespmem:v24+s3+$0x0], $0xffff;
	[tilespmem:s20+$0xFFFFFE50] =	vst v11  }
0xd1: {  	[tilespmem:s29+$0xFFFFFEC0] =	vst v17;
	v11 =	vld.idx.msk [tilespmem:v21+s3+$0x0], $0xffff  }
0xd2: {  	[tilespmem:s31+$0xFFFFFF90] =	vst v14;
	v14 =	vld.idx.msk [tilespmem:v16+s3+$0x0], $0xffff;
	v16 =	vadd.s32 s21, v1  }
0xd3: {  	v17 =	vadd.s32 s23, v1;
	v15 =	vld.idx.msk [tilespmem:v15+s3+$0x0], $0xffff;
	[tilespmem:s20+$0xFFFFFF60] =	vst v12  }
0xd4: {  	[tilespmem:s29+$0xFFFFFE20] =	vst v22;
	v12 =	vld.idx.msk [tilespmem:v19+s3+$0x0], $0xffff;
	v19 =	vadd.s32 s28, v3  }
0xd5: {  	v22 =	vadd.s32 s30, v5;
	v21 =	vld.idx.msk [tilespmem:v23+s3+$0x0], $0xffff;
	[tilespmem:s20+$0x0] =	vst v13  }
0xd6: {  	v13 =	vld.idx.msk [tilespmem:v20+s3+$0x0], $0xffff;
	v20 =	vadd.s32 s25, v2;
	[tilespmem:s29+$0xFFFFFFC0] =	vst v24  }
0xd7: {  	[tilespmem:s20+$0xFFFFFE60] =	vst v11;
	v11 =	vadd.s32 s22, v0;
	v16 =	vld.idx.msk [tilespmem:v16+s3+$0x0], $0xffff;
	s22 =	smov.u32 s25;
	s25 =	smov.u32 s5  }
0xd8: {  	[tilespmem:s29+$0xFFFFFED0] =	vst v14;
	v14 =	vld.idx.msk [tilespmem:v17+s3+$0x0], $0xffff  }
0xd9: {  	v17 =	vadd.s32 s21, v0;
	s21 =	smov.u32 s26;
	s26 =	smov.u32 s13;
	[tilespmem:s31+$0xFFFFFE90] =	vst v15;
	v15 =	vld.idx.msk [tilespmem:v19+s3+$0x0], $0xffff  }
0xda: {  	v19 =	vld.idx.msk [tilespmem:v22+s3+$0x0], $0xffff;
	[tilespmem:s29+$0xFFFFFF40] =	vst v12;
	v12 =	vadd.s32 s23, v0;
	s23 =	smov.u32 s30;
	s30 =	smov.u32 s12  }
0xdb: {  	[tilespmem:s31+$0xFFFFFF10] =	vst v21;
	v20 =	vld.idx.msk [tilespmem:v20+s3+$0x0], $0xffff;
	v21 =	vadd.s32 s28, v2  }
0xdc: {  	[tilespmem:s31+$0xFFFFFFA0] =	vst v13;
	v13 =	vadd.s32 s23, v4;
	v11 =	vld.idx.msk [tilespmem:v11+s3+$0x0], $0xffff  }
0xdd: {  	v18 =	vld.idx.msk [tilespmem:v18+s3+$0x0], $0xffff;
	[tilespmem:s20+$0xFFFFFF70] =	vst v16  }
0xde: {  	v22 =	vadd.s32 s1, v5;
	[tilespmem:s20+$0xFFFFFE70] =	vst v14;
	v14 =	vld.idx.msk [tilespmem:v17+s3+$0x0], $0xffff  }
0xdf: {  	v17 =	vadd.s32 s25, v5;
	[tilespmem:s29+$0xFFFFFFD0] =	vst v15;
	v23 =	vld.idx.msk [tilespmem:v12+s3+$0x0], $0xffff  }
0xe0: {  	v24 =	vadd.s32 s21, v3;
	[tilespmem:s29+$0xFFFFFE30] =	vst v19;
	v16 =	vld.idx.msk [tilespmem:v21+s3+$0x0], $0xffff  }
.Ltmp1:
0xe1: {  	v15 =	vld.idx.msk [tilespmem:v13+s3+$0x0], $0xffff;
	[tilespmem:s29+$0xFFFFFEE0] =	vst v20;
	v20 =	vadd.s32 s22, v1;
	(pc) =	sbr.rel @p1 .LBB2_5-.Ltmp1, $4  }
0xe2: {  	v12 =	vld.idx.msk [tilespmem:v25+s3+$0x0], $0xffff;
	[tilespmem:s20+$0xFFFFFF00] =	vst v11  }
0xe3: {  	[tilespmem:s31+$0xFFFFFEA0] =	vst v18;
	v11 =	vld.idx.msk [tilespmem:v22+s3+$0x0], $0xffff;
	v18 =	vadd.s32 s28, v1  }
0xe4: {  	v19 =	vadd.s32 s26, v5;
	v13 =	vld.idx.msk [tilespmem:v17+s3+$0x0], $0xffff;
	[tilespmem:s20+$0xFFFFFF80] =	vst v14  }
0xe5: {  	s1 =	sadd.s32 $0x1000, s1;
	v17 =	vadd.s32 s23, v3;
	v14 =	vld.idx.msk [tilespmem:v24+s3+$0x0], $0xffff;
	[tilespmem:s20+$0xFFFFFE80] =	vst v23;
	s20 =	smov.u32 s29;
	s29 =	smov.u32 s31  }
0xe6: {  	_ =	sdelay $0x3  }
0xe7: {  	v6 =	vld.idx.msk [tilespmem:v10+s3+$0x0], $0xffff;
	_ =	sdelay $0x4  }
0xe8: {  	[tilespmem:s31+$0xFFFFFE10] =	vst v6  }
0xe9: {  	v6 =	vld.idx.msk [tilespmem:v9+s3+$0x0], $0xffff  }
0xea: {  	v5 =	vadd.s32 s30, v5  }
0xeb: {  	[tilespmem:s20+$0xFFFFFFE0] =	vst v16  }
0xec: {  	[tilespmem:s20+$0xFFFFFE40] =	vst v15  }
0xed: {  	v7 =	vld.idx.msk [tilespmem:v20+s3+$0x0], $0xffff;
	[tilespmem:s31+$0xFFFFFF20] =	vst v12;
	v9 =	vadd.s32 s24, v4  }
0xee: {  	v10 =	vld.idx.msk [tilespmem:v19+s3+$0x0], $0xffff;
	[tilespmem:s29+$0xFFFFFE20] =	vst v6  }
0xef: {  	[tilespmem:s31+$0xFFFFFFB0] =	vst v11;
	v6 =	vadd.s32 s26, v4;
	v5 =	vld.idx.msk [tilespmem:v5+s3+$0x0], $0xffff  }
0xf0: {  	v11 =	vld.idx.msk [tilespmem:v18+s3+$0x0], $0xffff;
	[tilespmem:s31+$0xFFFFFEB0] =	vst v13;
	v4 =	vadd.s32 s30, v4  }
0xf1: {  	v12 =	vadd.s32 s21, v2;
	v13 =	vld.idx.msk [tilespmem:v17+s3+$0x0], $0xffff;
	[tilespmem:s20+$0xFFFFFF50] =	vst v14  }
0xf2: {  	v14 =	vadd.s32 s28, v0;
	[tilespmem:s20+$0xFFFFFEF0] =	vst v7;
	v7 =	vld.idx.msk [tilespmem:v9+s3+$0x0], $0xffff  }
0xf3: {  	v8 =	vld.idx.msk [tilespmem:v8+s3+$0x0], $0xffff;
	[tilespmem:s31+$0xFFFFFF30] =	vst v10;
	v9 =	vadd.s32 s24, v3  }
0xf4: {  	v10 =	vadd.s32 s25, v3;
	v6 =	vld.idx.msk [tilespmem:v6+s3+$0x0], $0xffff;
	[tilespmem:s29+$0xFFFFFE30] =	vst v5  }
0xf5: {  	[tilespmem:s20+$0xFFFFFFF0] =	vst v11;
	v5 =	vadd.s32 s26, v3;
	v4 =	vld.idx.msk [tilespmem:v4+s3+$0x0], $0xffff  }
0xf6: {  	v11 =	vld.idx.msk [tilespmem:v12+s3+$0x0], $0xffff;
	[tilespmem:s20+$0xFFFFFE50] =	vst v13;
	v3 =	vadd.s32 s30, v3  }
0xf7: {  	v12 =	vadd.s32 s23, v2;
	v13 =	vld.idx.msk [tilespmem:v14+s3+$0x0], $0xffff;
	[tilespmem:s29+$0xFFFFFFC0] =	vst v7  }
0xf8: {  	[tilespmem:s29+$0xFFFFFEC0] =	vst v8;
	v7 =	vadd.s32 s21, v1;
	v8 =	vld.idx.msk [tilespmem:v9+s3+$0x0], $0xffff  }
0xf9: {  	v9 =	vld.idx.msk [tilespmem:v10+s3+$0x0], $0xffff;
	[tilespmem:s29+$0xFFFFFF40] =	vst v6;
	v6 =	vadd.s32 s24, v2  }
0xfa: {  	v10 =	vadd.s32 s25, v2;
	v5 =	vld.idx.msk [tilespmem:v5+s3+$0x0], $0xffff;
	[tilespmem:s29+$0xFFFFFE40] =	vst v4  }
0xfb: {  	[tilespmem:s20+$0xFFFFFF60] =	vst v11;
	v4 =	vadd.s32 s26, v2;
	v3 =	vld.idx.msk [tilespmem:v3+s3+$0x0], $0xffff  }
0xfc: {  	v11 =	vld.idx.msk [tilespmem:v12+s3+$0x0], $0xffff;
	[tilespmem:s20+$0x0] =	vst v13;
	v2 =	vadd.s32 s30, v2  }
0xfd: {  	v12 =	vadd.s32 s23, v1;
	v7 =	vld.idx.msk [tilespmem:v7+s3+$0x0], $0xffff;
	[tilespmem:s29+$0xFFFFFFD0] =	vst v8  }
0xfe: {  	v8 =	vadd.s32 s22, v0;
	[tilespmem:s29+$0xFFFFFED0] =	vst v9;
	v6 =	vld.idx.msk [tilespmem:v6+s3+$0x0], $0xffff  }
0xff: {  	v9 =	vld.idx.msk [tilespmem:v10+s3+$0x0], $0xffff;
	v10 =	vadd.s32 s24, v1;
	[tilespmem:s29+$0xFFFFFF50] =	vst v5  }
0x100: {  	v5 =	vadd.s32 s25, v1;
	v4 =	vld.idx.msk [tilespmem:v4+s3+$0x0], $0xffff;
	[tilespmem:s29+$0xFFFFFE50] =	vst v3  }
0x101: {  	[tilespmem:s20+$0xFFFFFE60] =	vst v11;
	v3 =	vadd.s32 s26, v1;
	v2 =	vld.idx.msk [tilespmem:v2+s3+$0x0], $0xffff  }
0x102: {  	v11 =	vld.idx.msk [tilespmem:v12+s3+$0x0], $0xffff;
	[tilespmem:s20+$0xFFFFFF70] =	vst v7;
	v1 =	vadd.s32 s30, v1  }
0x103: {  	v7 =	vadd.s32 s21, v0;
	v8 =	vld.idx.msk [tilespmem:v8+s3+$0x0], $0xffff;
	[tilespmem:s29+$0xFFFFFFE0] =	vst v6  }
0x104: {  	[tilespmem:s29+$0xFFFFFEE0] =	vst v9;
	v6 =	vadd.s32 s23, v0;
	v9 =	vld.idx.msk [tilespmem:v10+s3+$0x0], $0xffff  }
0x105: {  	v5 =	vld.idx.msk [tilespmem:v5+s3+$0x0], $0xffff;
	v10 =	vadd.s32 s24, v0;
	[tilespmem:s29+$0xFFFFFF60] =	vst v4  }
0x106: {  	v3 =	vld.idx.msk [tilespmem:v3+s3+$0x0], $0xffff;
	[tilespmem:s29+$0xFFFFFE60] =	vst v2;
	v2 =	vadd.s32 s25, v0  }
0x107: {  	[tilespmem:s20+$0xFFFFFE70] =	vst v11;
	v4 =	vadd.s32 s26, v0;
	v1 =	vld.idx.msk [tilespmem:v1+s3+$0x0], $0xffff  }
0x108: {  	v7 =	vld.idx.msk [tilespmem:v7+s3+$0x0], $0xffff;
	[tilespmem:s20+$0xFFFFFF00] =	vst v8;
	v0 =	vadd.s32 s30, v0  }
0x109: {  	v6 =	vld.idx.msk [tilespmem:v6+s3+$0x0], $0xffff;
	[tilespmem:s29+$0xFFFFFFF0] =	vst v9  }
0x10a: {  	[tilespmem:s29+$0xFFFFFEF0] =	vst v5;
	v5 =	vld.idx.msk [tilespmem:v10+s3+$0x0], $0xffff  }
0x10b: {  	[tilespmem:s29+$0xFFFFFF70] =	vst v3;
	v2 =	vld.idx.msk [tilespmem:v2+s3+$0x0], $0xffff  }
0x10c: {  	[tilespmem:s29+$0xFFFFFE70] =	vst v1;
	v1 =	vld.idx.msk [tilespmem:v4+s3+$0x0], $0xffff  }
0x10d: {  	[tilespmem:s20+$0xFFFFFF80] =	vst v7;
	v0 =	vld.idx.msk [tilespmem:v0+s3+$0x0], $0xffff  }
0x10e: {  	[tilespmem:s20+$0xFFFFFE80] =	vst v6  }
0x10f: {  	s0 =	sshll.u32 s19, $0x14;
	[tilespmem:s29+$0x0] =	vst v5  }
0x110: {  	s0 =	sor.u32 s4, s0;
	[tilespmem:s29+$0xFFFFFF00] =	vst v2  }
0x111: {  	s0 =	sshrl.u32 s0, $0x3;
	[tilespmem:s29+$0xFFFFFF80] =	vst v1  }
0x112: {  	s0 =	sadd.s32 s2, s0;
	[tilespmem:s29+$0xFFFFFE80] =	vst v0  }
0x113: {  	[hbm4b:s0+s10] =	stream.strided.scatter [tilespmem:s16], [sflag:$0x1], $0x4000, s11, s10, $0x38;
	[tilespmem:$0x19C00] =	vst v63  }
0x114: {  	s0 =	simm.s32 @!p0 $0x2  }
0x115: {  	s20 =	sshllo.u32 s19, $0x1;
	_ =	swait.ge @!p0 [sflag:s0], $0x4000  }
0x116: {  	s1 =	sshll.u32 s20, $0x8;
	[sflag:s0] =	ssyncset.done @!p0 $0x0  }
0x117: {  	s21 =	sand.u32 $0x3FFFFF00, s1;
	[sflag:s0] =	ssyncadd.s32 @!p0 $0xFFFFC000  }
0x118: {  	v3 =	vld [tilespmem:s21+$0x10000];
	_ =	sdelay $0x3  }
0x119: {  	s13 =	simm.s32 $0x400  }
0x11a: {  	s12 =	simm.s32 $0x800;
	v4 =	vld [tilespmem:s21+$0x10010];
	v0 =	vadd.s32 s13, v3  }
0x11b: {  	v5 =	vld [tilespmem:s21+$0x10020];
	v8 =	vadd.s32 s12, v3  }
0x11c: {  	v6 =	vld [tilespmem:s21+$0x10030]  }
0x11d: {  	v7 =	vld [tilespmem:s21+$0x10040]  }
0x11e: {  	s31 =	simm.s32 $0xC00;
	v2 =	vld [tilespmem:s21+$0x10050]  }
0x11f: {  	v9 =	vadd.s32 s31, v3;
	v10 =	vld.idx.msk [tilespmem:v0+s3+$0x0], $0xffff  }
0x120: {  	v11 =	vadd.s32 s13, v4;
	v8 =	vld.idx.msk [tilespmem:v8+s3+$0x0], $0xffff  }
0x121: {  	v13 =	vadd.s32 s12, v4;
	v12 =	vld.idx.msk [tilespmem:v3+s3+$0x0], $0xffff  }
0x122: {  	v1 =	vld [tilespmem:s21+$0x10060]  }
0x123: {  	s22 =	simm.s32 $0x15D00;
	v0 =	vld [tilespmem:s21+$0x10070]  }
0x124: {  	v9 =	vld.idx.msk [tilespmem:v9+s3+$0x0], $0xffff;
	[tilespmem:s22+$0xFFFFFF80] =	vst v10  }
0x125: {  	v14 =	vadd.s32 s31, v4;
	[tilespmem:s22+$0x0] =	vst v8;
	v10 =	vld.idx.msk [tilespmem:v11+s3+$0x0], $0xffff  }
0x126: {  	[tilespmem:s22+$0xFFFFFF00] =	vst v12;
	v8 =	vld.idx.msk [tilespmem:v13+s3+$0x0], $0xffff;
	v11 =	vadd.s32 s13, v5  }
0x127: {  	v12 =	vld.idx.msk [tilespmem:v4+s3+$0x0], $0xffff;
	v13 =	vadd.s32 s12, v5;
	_ =	sdelay $0x1  }
0x128: {  	[tilespmem:s22+$0x80] =	vst v9  }
0x129: {  	s24 =	simm.s32 $0x1400;
	v9 =	vld.idx.msk [tilespmem:v14+s3+$0x0], $0xffff;
	[tilespmem:s22+$0xFFFFFF90] =	vst v10  }
0x12a: {  	v17 =	vadd.s32 s24, v3;
	[tilespmem:s22+$0x10] =	vst v8;
	v10 =	vld.idx.msk [tilespmem:v11+s3+$0x0], $0xffff  }
0x12b: {  	[tilespmem:s22+$0xFFFFFF10] =	vst v12;
	v12 =	vadd.s32 s13, v6;
	v11 =	vld.idx.msk [tilespmem:v13+s3+$0x0], $0xffff  }
0x12c: {  	v15 =	vadd.s32 s12, v6;
	v13 =	vld.idx.msk [tilespmem:v5+s3+$0x0], $0xffff  }
0x12d: {  	v14 =	vadd.s32 s31, v5  }
0x12e: {  	[tilespmem:s22+$0x90] =	vst v9  }
0x12f: {  	v17 =	vld.idx.msk [tilespmem:v17+s3+$0x0], $0xffff;
	[tilespmem:s22+$0xFFFFFFA0] =	vst v10  }
0x130: {  	v21 =	vadd.s32 s24, v4;
	[tilespmem:s22+$0x20] =	vst v11;
	v12 =	vld.idx.msk [tilespmem:v12+s3+$0x0], $0xffff  }
0x131: {  	[tilespmem:s22+$0xFFFFFF20] =	vst v13;
	v13 =	vadd.s32 s13, v7;
	v11 =	vld.idx.msk [tilespmem:v15+s3+$0x0], $0xffff  }
0x132: {  	s23 =	simm.s32 $0x0;
	v16 =	vadd.s32 s12, v7;
	v8 =	vadd.s32 $0x1000, v3;
	v9 =	vld.idx.msk [tilespmem:v14+s3+$0x0], $0xffff  }
0x133: {  	s28 =	simm.s32 $0x15F00;
	v14 =	vadd.s32 s23, v8;
	v15 =	vld.idx.msk [tilespmem:v6+s3+$0x0], $0xffff  }
0x134: {  	s25 =	simm.s32 $0x1800;
	[tilespmem:s28+$0xFFFFFF80] =	vst v17;
	v10 =	vadd.s32 s31, v6  }
0x135: {  	v21 =	vld.idx.msk [tilespmem:v21+s3+$0x0], $0xffff;
	[tilespmem:s22+$0xFFFFFFB0] =	vst v12;
	v12 =	vadd.s32 s25, v3  }
0x136: {  	s26 =	simm.s32 $0x1C00;
	[tilespmem:s22+$0x30] =	vst v11;
	v13 =	vld.idx.msk [tilespmem:v13+s3+$0x0], $0xffff  }
0x137: {  	[tilespmem:s22+$0xA0] =	vst v9;
	v11 =	vadd.s32 s26, v3;
	v16 =	vld.idx.msk [tilespmem:v16+s3+$0x0], $0xffff  }
0x138: {  	v14 =	vld.idx.msk [tilespmem:v14+s3+$0x0], $0xffff;
	[tilespmem:s22+$0xFFFFFF30] =	vst v15;
	v15 =	vadd.s32 s13, v2  }
0x139: {  	v19 =	vadd.s32 s12, v2;
	v9 =	vadd.s32 $0x1000, v4;
	v10 =	vld.idx.msk [tilespmem:v10+s3+$0x0], $0xffff  }
0x13a: {  	[tilespmem:s28+$0xFFFFFF90] =	vst v21;
	v20 =	vadd.s32 s23, v9;
	v12 =	vld.idx.msk [tilespmem:v12+s3+$0x0], $0xffff  }
0x13b: {  	v18 =	vld.idx.msk [tilespmem:v7+s3+$0x0], $0xffff;
	[tilespmem:s22+$0xFFFFFFC0] =	vst v13;
	v13 =	vadd.s32 s25, v4  }
0x13c: {  	v11 =	vld.idx.msk [tilespmem:v11+s3+$0x0], $0xffff;
	[tilespmem:s22+$0x40] =	vst v16;
	v16 =	vadd.s32 s31, v7  }
0x13d: {  	[tilespmem:s28+$0xFFFFFF00] =	vst v14;
	v14 =	vadd.s32 s26, v4;
	v15 =	vld.idx.msk [tilespmem:v15+s3+$0x0], $0xffff  }
0x13e: {  	v17 =	vadd.s32 s13, v1;
	[tilespmem:s22+$0xB0] =	vst v10;
	v19 =	vld.idx.msk [tilespmem:v19+s3+$0x0], $0xffff  }
0x13f: {  	v22 =	vadd.s32 s24, v5;
	v20 =	vld.idx.msk [tilespmem:v20+s3+$0x0], $0xffff;
	v10 =	vadd.s32 $0x1000, v5;
	[tilespmem:s28+$0x0] =	vst v12  }
0x140: {  	[tilespmem:s22+$0xFFFFFF40] =	vst v18;
	v18 =	vadd.s32 s23, v10;
	v13 =	vld.idx.msk [tilespmem:v13+s3+$0x0], $0xffff  }
0x141: {  	v12 =	vadd.s32 s12, v1;
	[tilespmem:s28+$0x80] =	vst v11;
	v11 =	vld.idx.msk [tilespmem:v16+s3+$0x0], $0xffff  }
0x142: {  	v16 =	vadd.s32 s25, v5;
	v14 =	vld.idx.msk [tilespmem:v14+s3+$0x0], $0xffff;
	[tilespmem:s22+$0xFFFFFFD0] =	vst v15  }
0x143: {  	[tilespmem:s22+$0x50] =	vst v19;
	v19 =	vadd.s32 s26, v5;
	v15 =	vld.idx.msk [tilespmem:v17+s3+$0x0], $0xffff  }
0x144: {  	v21 =	vld.idx.msk [tilespmem:v22+s3+$0x0], $0xffff;
	[tilespmem:s28+$0xFFFFFF10] =	vst v20;
	v20 =	vadd.s32 s13, v0  }
0x145: {  	v18 =	vld.idx.msk [tilespmem:v18+s3+$0x0], $0xffff;
	v17 =	vadd.s32 s31, v2;
	[tilespmem:s28+$0x10] =	vst v13  }
0x146: {  	v12 =	vld.idx.msk [tilespmem:v12+s3+$0x0], $0xffff;
	[tilespmem:s22+$0xC0] =	vst v11  }
0x147: {  	v22 =	vadd.s32 s12, v0;
	[tilespmem:s28+$0x90] =	vst v14;
	v16 =	vld.idx.msk [tilespmem:v16+s3+$0x0], $0xffff  }
0x148: {  	v11 =	vadd.s32 s24, v6;
	v13 =	vadd.s32 $0x1000, v6;
	v19 =	vld.idx.msk [tilespmem:v19+s3+$0x0], $0xffff;
	[tilespmem:s22+$0xFFFFFFE0] =	vst v15  }
0x149: {  	v24 =	vadd.s32 s23, v13;
	v15 =	vld.idx.msk [tilespmem:v20+s3+$0x0], $0xffff  }
0x14a: {  	[tilespmem:s28+$0xFFFFFFA0] =	vst v21;
	v14 =	vld.idx.msk [tilespmem:v17+s3+$0x0], $0xffff;
	v17 =	vadd.s32 s25, v6  }
0x14b: {  	v20 =	vld.idx.msk [tilespmem:v2+s3+$0x0], $0xffff;
	[tilespmem:s22+$0x60] =	vst v12;
	v12 =	vadd.s32 s31, v1  }
0x14c: {  	s29 =	simm.s32 $0x1000;
	[tilespmem:s28+$0xFFFFFF20] =	vst v18;
	v18 =	vadd.s32 s26, v6;
	v29 =	vld.idx.msk [tilespmem:v22+s3+$0x0], $0xffff  }
0x14d: {  	v28 =	vadd.s32 s29, v8;
	v23 =	vld.idx.msk [tilespmem:v11+s3+$0x0], $0xffff;
	[tilespmem:s28+$0x20] =	vst v16  }
0x14e: {  	v24 =	vld.idx.msk [tilespmem:v24+s3+$0x0], $0xffff;
	[tilespmem:s22+$0xFFFFFFF0] =	vst v15;
	v15 =	vmov v1  }
0x14f: {  	v26 =	vadd.s32 s24, v7;
	v27 =	vadd.s32 s25, v7;
	v22 =	vld.idx.msk [tilespmem:v17+s3+$0x0], $0xffff;
	[tilespmem:s22+$0xD0] =	vst v14  }
0x150: {  	v21 =	vadd.s32 s31, v0;
	v16 =	vadd.s32 $0x1000, v7;
	[tilespmem:s28+$0xA0] =	vst v19;
	v17 =	vadd.s32 $0x1000, v0;
	v19 =	vld.idx.msk [tilespmem:v12+s3+$0x0], $0xffff  }
0x151: {  	s30 =	simm.s32 $0x4;
	s1 =	simm.s32 $0x2000;
	s0 =	simm.s32 $0x15F00;
	v11 =	vmovc v0;
	v14 =	vadd.s32 $0x1000, v2;
	v25 =	vld.idx.msk [tilespmem:v18+s3+$0x0], $0xffff;
	v18 =	vadd.s32 s23, v17;
	v12 =	vadd.s32 $0x1000, v1;
	[tilespmem:s22+$0x70] =	vst v29  }
.LBB2_7:
0x152: {  	v28 =	vld.idx.msk [tilespmem:v28+s3+$0x0], $0xffff;
	s13 =	sadd.s32 $0x400, s1;
	s30 =	sadd.s32 $0x4, s30;
	v29 =	vadd.s32 s23, v16;
	v30 =	vadd.s32 s23, v14;
	[tilespmem:s22+$0xFFFFFF50] =	vst v20;
	v20 =	vadd.s32 s23, v12;
	s23 =	smov.u32 s29  }
0x153: {  	s31 =	sadd.s32 $0x800, s1;
	s29 =	smov.u32 s1;
	v31 =	vadd.s32 s13, v3;
	p0 =	slt.u32 s30, $0x3C;
	[tilespmem:s28+$0xFFFFFFB0] =	vst v23;
	v23 =	vld.idx.msk [tilespmem:v15+s3+$0x0], $0xffff;
	v15 =	vmov v20  }
0x154: {  	s12 =	sadd.s32 $0xC00, s1;
	v20 =	vadd.s32 s31, v3;
	v26 =	vld.idx.msk [tilespmem:v26+s3+$0x0], $0xffff;
	[tilespmem:s28+$0x30] =	vst v22  }
0x155: {  	v32 =	vadd.s32 s23, v9;
	v22 =	vadd.s32 s12, v3;
	v27 =	vld.idx.msk [tilespmem:v27+s3+$0x0], $0xffff;
	[tilespmem:s22+$0xE0] =	vst v19  }
0x156: {  	[tilespmem:s28+$0xFFFFFF30] =	vst v24;
	v19 =	vld.idx.msk [tilespmem:v21+s3+$0x0], $0xffff  }
0x157: {  	v24 =	vadd.s32 s24, v2;
	s28 =	sadd.s32 $0x200, s28;
	v21 =	vld.idx.msk [tilespmem:v29+s3+$0x0], $0xffff;
	[tilespmem:s0+$0xB0] =	vst v25  }
0x158: {  	[tilespmem:s28+$0xFFFFFF00] =	vst v28;
	v25 =	vld.idx.msk [tilespmem:v31+s3+$0x0], $0xffff;
	v28 =	vadd.s32 s25, v2  }
0x159: {  	v20 =	vld.idx.msk [tilespmem:v20+s3+$0x0], $0xffff;
	[tilespmem:s22+$0xFFFFFF60] =	vst v23  }
0x15a: {  	v23 =	vadd.s32 s13, v4;
	[tilespmem:s0+$0xFFFFFFC0] =	vst v26;
	v26 =	vld.idx.msk [tilespmem:v11+s3+$0x0], $0xffff;
	v11 =	vmov v18  }
0x15b: {  	v18 =	vadd.s32 s31, v4;
	v22 =	vld.idx.msk [tilespmem:v22+s3+$0x0], $0xffff;
	[tilespmem:s0+$0x40] =	vst v27  }
0x15c: {  	v27 =	vadd.s32 s26, v7;
	v24 =	vld.idx.msk [tilespmem:v24+s3+$0x0], $0xffff;
	[tilespmem:s22+$0xF0] =	vst v19  }
0x15d: {  	v19 =	vadd.s32 s12, v4;
	[tilespmem:s0+$0xFFFFFF40] =	vst v21;
	v21 =	vld.idx.msk [tilespmem:v28+s3+$0x0], $0xffff  }
0x15e: {  	v28 =	vld.idx.msk [tilespmem:v32+s3+$0x0], $0xffff;
	[tilespmem:s28+$0xFFFFFF80] =	vst v25;
	v25 =	vadd.s32 s24, v1  }
0x15f: {  	v23 =	vld.idx.msk [tilespmem:v23+s3+$0x0], $0xffff;
	[tilespmem:s28+$0x0] =	vst v20;
	v20 =	vadd.s32 s25, v1  }
0x160: {  	v29 =	vadd.s32 s23, v10;
	v18 =	vld.idx.msk [tilespmem:v18+s3+$0x0], $0xffff;
	[tilespmem:s22+$0xFFFFFF70] =	vst v26;
	s22 =	smov.u32 s0;
	s0 =	smov.u32 s28  }
0x161: {  	v26 =	vadd.s32 s13, v5;
	[tilespmem:s28+$0x80] =	vst v22;
	v22 =	vld.idx.msk [tilespmem:v27+s3+$0x0], $0xffff  }
0x162: {  	v27 =	vadd.s32 s31, v5;
	v19 =	vld.idx.msk [tilespmem:v19+s3+$0x0], $0xffff;
	[tilespmem:s22+$0xFFFFFFD0] =	vst v24  }
0x163: {  	v24 =	vld.idx.msk [tilespmem:v25+s3+$0x0], $0xffff;
	[tilespmem:s22+$0x50] =	vst v21;
	v21 =	vadd.s32 s26, v2  }
0x164: {  	v25 =	vadd.s32 s12, v5;
	[tilespmem:s28+$0xFFFFFF10] =	vst v28;
	v20 =	vld.idx.msk [tilespmem:v20+s3+$0x0], $0xffff  }
0x165: {  	v28 =	vld.idx.msk [tilespmem:v29+s3+$0x0], $0xffff;
	[tilespmem:s28+$0xFFFFFF90] =	vst v23;
	v23 =	vadd.s32 s24, v0;
	s24 =	smov.u32 s13  }
0x166: {  	v26 =	vld.idx.msk [tilespmem:v26+s3+$0x0], $0xffff;
	[tilespmem:s28+$0x10] =	vst v18;
	v18 =	vadd.s32 s25, v0;
	s25 =	smov.u32 s31  }
0x167: {  	v29 =	vadd.s32 s23, v13;
	v27 =	vld.idx.msk [tilespmem:v27+s3+$0x0], $0xffff;
	[tilespmem:s22+$0xC0] =	vst v22  }
0x168: {  	v22 =	vadd.s32 s24, v6;
	[tilespmem:s28+$0x90] =	vst v19;
	v19 =	vld.idx.msk [tilespmem:v21+s3+$0x0], $0xffff  }
0x169: {  	v21 =	vadd.s32 s25, v6;
	v25 =	vld.idx.msk [tilespmem:v25+s3+$0x0], $0xffff;
	[tilespmem:s22+$0xFFFFFFE0] =	vst v24  }
0x16a: {  	v24 =	vadd.s32 s26, v1;
	v31 =	vld.idx.msk [tilespmem:v23+s3+$0x0], $0xffff;
	[tilespmem:s22+$0x60] =	vst v20  }
0x16b: {  	[tilespmem:s28+$0xFFFFFF20] =	vst v28;
	v32 =	vld.idx.msk [tilespmem:v18+s3+$0x0], $0xffff  }
0x16c: {  	v18 =	vadd.s32 s12, v6;
	[tilespmem:s28+$0xFFFFFFA0] =	vst v26;
	v20 =	vld.idx.msk [tilespmem:v30+s3+$0x0], $0xffff  }
.Ltmp2:
0x16d: {  	v28 =	vadd.s32 s1, v8;
	v23 =	vld.idx.msk [tilespmem:v22+s3+$0x0], $0xffff;
	[tilespmem:s28+$0x20] =	vst v27;
	(pc) =	sbr.rel @p0 .LBB2_7-.Ltmp2, $4  }
0x16e: {  	v22 =	vld.idx.msk [tilespmem:v21+s3+$0x0], $0xffff;
	[tilespmem:s22+$0xD0] =	vst v19  }
0x16f: {  	v26 =	vadd.s32 s24, v7;
	[tilespmem:s28+$0xA0] =	vst v25;
	v19 =	vld.idx.msk [tilespmem:v24+s3+$0x0], $0xffff  }
0x170: {  	v27 =	vadd.s32 s25, v7;
	v24 =	vld.idx.msk [tilespmem:v29+s3+$0x0], $0xffff;
	[tilespmem:s22+$0xFFFFFFF0] =	vst v31  }
0x171: {  	s1 =	sadd.s32 $0x1000, s1;
	v21 =	vadd.s32 s26, v0;
	s26 =	smov.u32 s12;
	v25 =	vld.idx.msk [tilespmem:v18+s3+$0x0], $0xffff;
	v18 =	vadd.s32 s23, v17;
	[tilespmem:s22+$0x70] =	vst v32  }
0x172: {  	_ = 	snop  }
0x173: {  	v3 =	vadd.s32 s26, v7  }
0x174: {  	v4 =	vadd.s32 s23, v16  }
0x175: {  	[tilespmem:s28+$0xFFFFFFB0] =	vst v23  }
0x176: {  	v5 =	vld.idx.msk [tilespmem:v26+s3+$0x0], $0xffff;
	[tilespmem:s28+$0x30] =	vst v22  }
0x177: {  	v7 =	vadd.s32 s24, v2;
	v6 =	vld.idx.msk [tilespmem:v27+s3+$0x0], $0xffff;
	[tilespmem:s0+$0xB0] =	vst v25  }
0x178: {  	v8 =	vadd.s32 s25, v2;
	[tilespmem:s28+$0xFFFFFF30] =	vst v24;
	v3 =	vld.idx.msk [tilespmem:v3+s3+$0x0], $0xffff  }
0x179: {  	v2 =	vadd.s32 s26, v2;
	v4 =	vld.idx.msk [tilespmem:v4+s3+$0x0], $0xffff  }
0x17a: {  	v9 =	vadd.s32 s23, v14  }
0x17b: {  	[tilespmem:s0+$0xFFFFFFC0] =	vst v5  }
0x17c: {  	[tilespmem:s0+$0x40] =	vst v6;
	v5 =	vld.idx.msk [tilespmem:v7+s3+$0x0], $0xffff  }
0x17d: {  	v7 =	vadd.s32 s24, v1;
	v6 =	vld.idx.msk [tilespmem:v8+s3+$0x0], $0xffff;
	[tilespmem:s0+$0xC0] =	vst v3  }
0x17e: {  	[tilespmem:s0+$0xFFFFFF40] =	vst v4;
	v3 =	vadd.s32 s25, v1;
	v2 =	vld.idx.msk [tilespmem:v2+s3+$0x0], $0xffff  }
0x17f: {  	v1 =	vadd.s32 s26, v1;
	v4 =	vld.idx.msk [tilespmem:v9+s3+$0x0], $0xffff  }
0x180: {  	[tilespmem:s22+$0xFFFFFF50] =	vst v20;
	v8 =	vadd.s32 s23, v12  }
0x181: {  	v9 =	vld.idx.msk [tilespmem:v15+s3+$0x0], $0xffff;
	[tilespmem:s0+$0xFFFFFFD0] =	vst v5  }
0x182: {  	v5 =	vld.idx.msk [tilespmem:v7+s3+$0x0], $0xffff;
	[tilespmem:s0+$0x50] =	vst v6  }
0x183: {  	v6 =	vadd.s32 s24, v0;
	v3 =	vld.idx.msk [tilespmem:v3+s3+$0x0], $0xffff;
	[tilespmem:s0+$0xD0] =	vst v2  }
0x184: {  	v2 =	vadd.s32 s25, v0;
	[tilespmem:s0+$0xFFFFFF50] =	vst v4;
	v1 =	vld.idx.msk [tilespmem:v1+s3+$0x0], $0xffff  }
0x185: {  	[tilespmem:s22+$0xE0] =	vst v19;
	v0 =	vadd.s32 s26, v0;
	v4 =	vld.idx.msk [tilespmem:v8+s3+$0x0], $0xffff  }
0x186: {  	v7 =	vld.idx.msk [tilespmem:v21+s3+$0x0], $0xffff;
	[tilespmem:s22+$0xFFFFFF60] =	vst v9  }
0x187: {  	v8 =	vld.idx.msk [tilespmem:v11+s3+$0x0], $0xffff;
	[tilespmem:s0+$0xFFFFFFE0] =	vst v5  }
0x188: {  	v5 =	vld.idx.msk [tilespmem:v6+s3+$0x0], $0xffff;
	[tilespmem:s0+$0x60] =	vst v3  }
0x189: {  	v2 =	vld.idx.msk [tilespmem:v2+s3+$0x0], $0xffff;
	[tilespmem:s0+$0xE0] =	vst v1  }
0x18a: {  	[tilespmem:s0+$0xFFFFFF60] =	vst v4;
	v0 =	vld.idx.msk [tilespmem:v0+s3+$0x0], $0xffff  }
0x18b: {  	[tilespmem:s22+$0xF0] =	vst v7;
	v1 =	vld.idx.msk [tilespmem:v18+s3+$0x0], $0xffff  }
0x18c: {  	[tilespmem:s22+$0xFFFFFF70] =	vst v8  }
0x18d: {  	[tilespmem:s0+$0xFFFFFFF0] =	vst v5  }
0x18e: {  	[tilespmem:s0+$0x70] =	vst v2  }
0x18f: {  	[tilespmem:s0+$0xF0] =	vst v0  }
0x190: {  	[tilespmem:s0+$0xFFFFFF70] =	vst v1  }
0x191: {  	v6 =	vld [tilespmem:s21+$0x10080];
	_ =	sdelay $0x3  }
0x192: {  	s23 =	simm.s32 $0x400  }
0x193: {  	s29 =	simm.s32 $0xC00;
	v0 =	vadd.s32 s23, v6  }
0x194: {  	v7 =	vld [tilespmem:s21+$0x10090];
	v8 =	vadd.s32 s29, v6  }
0x195: {  	v5 =	vld [tilespmem:s21+$0x100A0]  }
0x196: {  	v4 =	vld [tilespmem:s21+$0x100B0]  }
0x197: {  	v3 =	vld [tilespmem:s21+$0x100C0]  }
0x198: {  	s22 =	simm.s32 $0x800;
	v9 =	vld.idx.msk [tilespmem:v0+s3+$0x0], $0xffff  }
0x199: {  	v11 =	vadd.s32 s22, v6;
	v8 =	vld.idx.msk [tilespmem:v8+s3+$0x0], $0xffff  }
0x19a: {  	v2 =	vld [tilespmem:s21+$0x100D0];
	v10 =	vadd.s32 s23, v7  }
0x19b: {  	v1 =	vld [tilespmem:s21+$0x100E0]  }
0x19c: {  	v12 =	vadd.s32 s29, v7;
	v0 =	vld [tilespmem:s21+$0x100F0];
	s21 =	simm.s32 $0x17DF0  }
0x19d: {  	[tilespmem:s21+$0xFFFFFE90] =	vst v9  }
0x19e: {  	[tilespmem:s21+$0xFFFFFF90] =	vst v8;
	v8 =	vld.idx.msk [tilespmem:v11+s3+$0x0], $0xffff  }
0x19f: {  	v11 =	vadd.s32 s22, v7;
	v9 =	vld.idx.msk [tilespmem:v10+s3+$0x0], $0xffff  }
0x1a0: {  	v10 =	vadd.s32 s23, v5  }
0x1a1: {  	v12 =	vld.idx.msk [tilespmem:v12+s3+$0x0], $0xffff  }
0x1a2: {  	s24 =	simm.s32 $0x0;
	v13 =	vadd.s32 s29, v5  }
0x1a3: {  	v14 =	vadd.s32 s24, v6;
	[tilespmem:s21+$0xFFFFFF10] =	vst v8  }
0x1a4: {  	[tilespmem:s21+$0xFFFFFEA0] =	vst v9;
	v8 =	vld.idx.msk [tilespmem:v11+s3+$0x0], $0xffff  }
0x1a5: {  	v9 =	vld.idx.msk [tilespmem:v10+s3+$0x0], $0xffff  }
0x1a6: {  	[tilespmem:s21+$0xFFFFFFA0] =	vst v12;
	v12 =	vadd.s32 s22, v5  }
0x1a7: {  	v10 =	vadd.s32 s23, v4;
	v11 =	vld.idx.msk [tilespmem:v13+s3+$0x0], $0xffff  }
0x1a8: {  	v13 =	vld.idx.msk [tilespmem:v14+s3+$0x0], $0xffff;
	v14 =	vadd.s32 s29, v4  }
0x1a9: {  	s25 =	simm.s32 $0x1C00;
	v15 =	vadd.s32 s24, v7;
	[tilespmem:s21+$0xFFFFFF20] =	vst v8  }
0x1aa: {  	s26 =	simm.s32 $0x1400;
	[tilespmem:s21+$0xFFFFFEB0] =	vst v9;
	v9 =	vadd.s32 s25, v6  }
0x1ab: {  	v16 =	vadd.s32 s26, v6;
	v12 =	vld.idx.msk [tilespmem:v12+s3+$0x0], $0xffff  }
0x1ac: {  	[tilespmem:s21+$0xFFFFFFB0] =	vst v11;
	v11 =	vadd.s32 s22, v4;
	v10 =	vld.idx.msk [tilespmem:v10+s3+$0x0], $0xffff  }
0x1ad: {  	v8 =	vadd.s32 s23, v3;
	[tilespmem:s21+$0xFFFFFE10] =	vst v13;
	v13 =	vld.idx.msk [tilespmem:v14+s3+$0x0], $0xffff  }
0x1ae: {  	s28 =	simm.s32 $0x1800;
	v14 =	vld.idx.msk [tilespmem:v15+s3+$0x0], $0xffff;
	v15 =	vadd.s32 s29, v3  }
0x1af: {  	v17 =	vadd.s32 s28, v6;
	v9 =	vld.idx.msk [tilespmem:v9+s3+$0x0], $0xffff  }
0x1b0: {  	[tilespmem:s21+$0xFFFFFF30] =	vst v12;
	v12 =	vld.idx.msk [tilespmem:v16+s3+$0x0], $0xffff  }
0x1b1: {  	[tilespmem:s21+$0xFFFFFEC0] =	vst v10;
	v10 =	vadd.s32 s24, v5;
	v11 =	vld.idx.msk [tilespmem:v11+s3+$0x0], $0xffff  }
0x1b2: {  	v18 =	vadd.s32 s25, v7;
	[tilespmem:s21+$0xFFFFFFC0] =	vst v13;
	v8 =	vld.idx.msk [tilespmem:v8+s3+$0x0], $0xffff  }
0x1b3: {  	s0 =	simm.s32 $0x17FF0;
	v16 =	vadd.s32 s26, v7;
	[tilespmem:s21+$0xFFFFFE20] =	vst v14;
	v14 =	vld.idx.msk [tilespmem:v15+s3+$0x0], $0xffff  }
0x1b4: {  	v13 =	vadd.s32 s23, v2;
	v15 =	vld.idx.msk [tilespmem:v17+s3+$0x0], $0xffff;
	[tilespmem:s0+$0xFFFFFF90] =	vst v9  }
0x1b5: {  	v17 =	vadd.s32 s28, v7;
	[tilespmem:s0+$0xFFFFFE90] =	vst v12  }
0x1b6: {  	v9 =	vld.idx.msk [tilespmem:v10+s3+$0x0], $0xffff;
	v10 =	vadd.s32 s29, v2;
	[tilespmem:s21+$0xFFFFFF40] =	vst v11  }
0x1b7: {  	v18 =	vld.idx.msk [tilespmem:v18+s3+$0x0], $0xffff;
	[tilespmem:s21+$0xFFFFFED0] =	vst v8;
	v8 =	vadd.s32 s24, v4  }
0x1b8: {  	v19 =	vadd.s32 s25, v5;
	v11 =	vld.idx.msk [tilespmem:v16+s3+$0x0], $0xffff;
	[tilespmem:s21+$0xFFFFFFD0] =	vst v14  }
0x1b9: {  	v14 =	vadd.s32 s22, v3;
	[tilespmem:s0+$0xFFFFFF10] =	vst v15;
	v13 =	vld.idx.msk [tilespmem:v13+s3+$0x0], $0xffff  }
0x1ba: {  	v21 =	vadd.s32 s26, v5;
	v12 =	vld.idx.msk [tilespmem:v17+s3+$0x0], $0xffff  }
0x1bb: {  	s31 =	simm.s32 $0x1000;
	v20 =	vadd.s32 s23, v1;
	[tilespmem:s21+$0xFFFFFE30] =	vst v9;
	v16 =	vld.idx.msk [tilespmem:v10+s3+$0x0], $0xffff  }
0x1bc: {  	[tilespmem:s0+$0xFFFFFFA0] =	vst v18;
	v10 =	vadd.s32 s31, v6;
	v15 =	vld.idx.msk [tilespmem:v8+s3+$0x0], $0xffff  }
0x1bd: {  	[tilespmem:s0+$0xFFFFFEA0] =	vst v11;
	v18 =	vadd.s32 s29, v1;
	v11 =	vld.idx.msk [tilespmem:v19+s3+$0x0], $0xffff  }
0x1be: {  	v17 =	vadd.s32 s24, v3;
	v19 =	vadd.s32 s28, v5;
	v14 =	vld.idx.msk [tilespmem:v14+s3+$0x0], $0xffff  }
0x1bf: {  	s1 =	simm.s32 $0x4;
	s12 =	simm.s32 $0x2C00;
	s30 =	simm.s32 $0x17FF0;
	v9 =	vadd.s32 s31, v7;
	v8 =	vadd.s32 s26, v4;
	[tilespmem:s21+$0xFFFFFEE0] =	vst v13;
	v13 =	vld.idx.msk [tilespmem:v21+s3+$0x0], $0xffff  }
.LBB2_9:
0x1c0: {  	s13 =	sadd.s32 $0xFFFFF400, s12;
	v21 =	vadd.s32 s12, v6;
	s1 =	sadd.s32 $0x4, s1;
	v20 =	vld.idx.msk [tilespmem:v20+s3+$0x0], $0xffff;
	[tilespmem:s21+$0xFFFFFFE0] =	vst v16  }
0x1c1: {  	s7 =	sadd.s32 $0xFFFFF800, s12;
	p0 =	slt.u32 s1, $0x3C;
	v16 =	vld.idx.msk [tilespmem:v10+s3+$0x0], $0xffff;
	v10 =	vadd.s32 s13, v6;
	[tilespmem:s21+$0xFFFFFE40] =	vst v15  }
0x1c2: {  	s5 =	sadd.s32 $0xFFFFFC00, s12;
	v15 =	vadd.s32 s7, v6;
	v22 =	vadd.s32 s7, v4;
	[tilespmem:s0+$0xFFFFFF20] =	vst v12;
	v12 =	vadd.s32 s22, v2;
	v18 =	vld.idx.msk [tilespmem:v18+s3+$0x0], $0xffff  }
0x1c3: {  	v23 =	vadd.s32 s5, v6;
	v19 =	vld.idx.msk [tilespmem:v19+s3+$0x0], $0xffff;
	[tilespmem:s0+$0xFFFFFFB0] =	vst v11  }
0x1c4: {  	[tilespmem:s0+$0xFFFFFEB0] =	vst v13;
	v11 =	vld.idx.msk [tilespmem:v17+s3+$0x0], $0xffff;
	v13 =	vadd.s32 s29, v0;
	s29 =	smov.u32 s25;
	s25 =	smov.u32 s12  }
0x1c5: {  	v17 =	vld.idx.msk [tilespmem:v8+s3+$0x0], $0xffff;
	v24 =	vadd.s32 s29, v4;
	[tilespmem:s21+$0xFFFFFF50] =	vst v14;
	v8 =	vmov v22  }
0x1c6: {  	v14 =	vld.idx.msk [tilespmem:v21+s3+$0x0], $0xffff;
	v21 =	vadd.s32 s24, v2;
	[tilespmem:s21+$0xFFFFFEF0] =	vst v20  }
0x1c7: {  	v20 =	vadd.s32 s12, v7;
	[tilespmem:s0+$0xFFFFFE10] =	vst v16;
	v16 =	vadd.s32 s26, v3;
	v12 =	vld.idx.msk [tilespmem:v12+s3+$0x0], $0xffff  }
0x1c8: {  	v22 =	vld.idx.msk [tilespmem:v9+s3+$0x0], $0xffff;
	v9 =	vadd.s32 s13, v7;
	[tilespmem:s21+$0xFFFFFFF0] =	vst v18  }
0x1c9: {  	v18 =	vadd.s32 s7, v7;
	[tilespmem:s0+$0xFFFFFF30] =	vst v19;
	v19 =	vadd.s32 s28, v4;
	v13 =	vld.idx.msk [tilespmem:v13+s3+$0x0], $0xffff  }
0x1ca: {  	v25 =	vadd.s32 s5, v7;
	s0 =	sadd.s32 $0x200, s0;
	v24 =	vld.idx.msk [tilespmem:v24+s3+$0x0], $0xffff;
	[tilespmem:s21+$0xFFFFFE50] =	vst v11  }
0x1cb: {  	[tilespmem:s30+$0xFFFFFEC0] =	vst v17;
	v11 =	vld.idx.msk [tilespmem:v21+s3+$0x0], $0xffff  }
0x1cc: {  	[tilespmem:s0+$0xFFFFFF90] =	vst v14;
	v14 =	vld.idx.msk [tilespmem:v16+s3+$0x0], $0xffff;
	v16 =	vadd.s32 s22, v1  }
0x1cd: {  	v17 =	vadd.s32 s24, v1;
	v15 =	vld.idx.msk [tilespmem:v15+s3+$0x0], $0xffff;
	[tilespmem:s21+$0xFFFFFF60] =	vst v12  }
0x1ce: {  	[tilespmem:s30+$0xFFFFFE20] =	vst v22;
	v12 =	vld.idx.msk [tilespmem:v19+s3+$0x0], $0xffff;
	v19 =	vadd.s32 s29, v3  }
0x1cf: {  	v22 =	vadd.s32 s31, v5;
	v21 =	vld.idx.msk [tilespmem:v23+s3+$0x0], $0xffff;
	[tilespmem:s21+$0x0] =	vst v13  }
0x1d0: {  	v13 =	vld.idx.msk [tilespmem:v20+s3+$0x0], $0xffff;
	v20 =	vadd.s32 s26, v2;
	[tilespmem:s30+$0xFFFFFFC0] =	vst v24  }
0x1d1: {  	[tilespmem:s21+$0xFFFFFE60] =	vst v11;
	v11 =	vadd.s32 s23, v0;
	v16 =	vld.idx.msk [tilespmem:v16+s3+$0x0], $0xffff;
	s23 =	smov.u32 s26;
	s26 =	smov.u32 s7  }
0x1d2: {  	[tilespmem:s30+$0xFFFFFED0] =	vst v14;
	v14 =	vld.idx.msk [tilespmem:v17+s3+$0x0], $0xffff  }
0x1d3: {  	v17 =	vadd.s32 s22, v0;
	s22 =	smov.u32 s28;
	s28 =	smov.u32 s5;
	[tilespmem:s0+$0xFFFFFE90] =	vst v15;
	v15 =	vld.idx.msk [tilespmem:v19+s3+$0x0], $0xffff  }
0x1d4: {  	v19 =	vld.idx.msk [tilespmem:v22+s3+$0x0], $0xffff;
	[tilespmem:s30+$0xFFFFFF40] =	vst v12;
	v12 =	vadd.s32 s24, v0;
	s24 =	smov.u32 s31;
	s31 =	smov.u32 s13  }
0x1d5: {  	[tilespmem:s0+$0xFFFFFF10] =	vst v21;
	v20 =	vld.idx.msk [tilespmem:v20+s3+$0x0], $0xffff;
	v21 =	vadd.s32 s29, v2  }
0x1d6: {  	[tilespmem:s0+$0xFFFFFFA0] =	vst v13;
	v13 =	vadd.s32 s24, v4;
	v11 =	vld.idx.msk [tilespmem:v11+s3+$0x0], $0xffff  }
0x1d7: {  	v18 =	vld.idx.msk [tilespmem:v18+s3+$0x0], $0xffff;
	[tilespmem:s21+$0xFFFFFF70] =	vst v16  }
0x1d8: {  	v22 =	vadd.s32 s12, v5;
	[tilespmem:s21+$0xFFFFFE70] =	vst v14;
	v14 =	vld.idx.msk [tilespmem:v17+s3+$0x0], $0xffff  }
0x1d9: {  	v17 =	vadd.s32 s26, v5;
	[tilespmem:s30+$0xFFFFFFD0] =	vst v15;
	v23 =	vld.idx.msk [tilespmem:v12+s3+$0x0], $0xffff  }
0x1da: {  	v24 =	vadd.s32 s22, v3;
	[tilespmem:s30+$0xFFFFFE30] =	vst v19;
	v16 =	vld.idx.msk [tilespmem:v21+s3+$0x0], $0xffff  }
.Ltmp3:
0x1db: {  	v15 =	vld.idx.msk [tilespmem:v13+s3+$0x0], $0xffff;
	[tilespmem:s30+$0xFFFFFEE0] =	vst v20;
	v20 =	vadd.s32 s23, v1;
	(pc) =	sbr.rel @p0 .LBB2_9-.Ltmp3, $4  }
0x1dc: {  	v12 =	vld.idx.msk [tilespmem:v25+s3+$0x0], $0xffff;
	[tilespmem:s21+$0xFFFFFF00] =	vst v11  }
0x1dd: {  	[tilespmem:s0+$0xFFFFFEA0] =	vst v18;
	v11 =	vld.idx.msk [tilespmem:v22+s3+$0x0], $0xffff;
	v18 =	vadd.s32 s29, v1  }
0x1de: {  	v19 =	vadd.s32 s28, v5;
	v13 =	vld.idx.msk [tilespmem:v17+s3+$0x0], $0xffff;
	[tilespmem:s21+$0xFFFFFF80] =	vst v14  }
0x1df: {  	s12 =	sadd.s32 $0x1000, s12;
	v17 =	vadd.s32 s24, v3;
	v14 =	vld.idx.msk [tilespmem:v24+s3+$0x0], $0xffff;
	[tilespmem:s21+$0xFFFFFE80] =	vst v23;
	s21 =	smov.u32 s30;
	s30 =	smov.u32 s0  }
0x1e0: {  	_ =	sdelay $0x3  }
0x1e1: {  	v6 =	vld.idx.msk [tilespmem:v10+s3+$0x0], $0xffff;
	_ =	sdelay $0x4  }
0x1e2: {  	[tilespmem:s0+$0xFFFFFE10] =	vst v6  }
0x1e3: {  	v6 =	vld.idx.msk [tilespmem:v9+s3+$0x0], $0xffff  }
0x1e4: {  	v5 =	vadd.s32 s31, v5  }
0x1e5: {  	[tilespmem:s21+$0xFFFFFFE0] =	vst v16  }
0x1e6: {  	[tilespmem:s21+$0xFFFFFE40] =	vst v15  }
0x1e7: {  	v7 =	vld.idx.msk [tilespmem:v20+s3+$0x0], $0xffff;
	v25 =	vadd.s32 s25, v4;
	[tilespmem:s0+$0xFFFFFF20] =	vst v12  }
0x1e8: {  	v26 =	vld.idx.msk [tilespmem:v19+s3+$0x0], $0xffff;
	[tilespmem:s30+$0xFFFFFE20] =	vst v6  }
0x1e9: {  	v27 =	vadd.s32 s28, v4;
	[tilespmem:s0+$0xFFFFFFB0] =	vst v11;
	v5 =	vld.idx.msk [tilespmem:v5+s3+$0x0], $0xffff  }
0x1ea: {  	v29 =	vadd.s32 s31, v4;
	v28 =	vld.idx.msk [tilespmem:v18+s3+$0x0], $0xffff;
	[tilespmem:s0+$0xFFFFFEB0] =	vst v13  }
0x1eb: {  	v30 =	vadd.s32 s22, v2;
	v31 =	vld.idx.msk [tilespmem:v17+s3+$0x0], $0xffff;
	[tilespmem:s21+$0xFFFFFF50] =	vst v14  }
0x1ec: {  	v32 =	vadd.s32 s29, v0;
	[tilespmem:s21+$0xFFFFFEF0] =	vst v7;
	v33 =	vld.idx.msk [tilespmem:v25+s3+$0x0], $0xffff  }
0x1ed: {  	v34 =	vadd.s32 s25, v3;
	v8 =	vld.idx.msk [tilespmem:v8+s3+$0x0], $0xffff;
	[tilespmem:s0+$0xFFFFFF30] =	vst v26  }
0x1ee: {  	v35 =	vadd.s32 s26, v3;
	v6 =	vld.idx.msk [tilespmem:v27+s3+$0x0], $0xffff;
	[tilespmem:s30+$0xFFFFFE30] =	vst v5  }
0x1ef: {  	v36 =	vadd.s32 s28, v3;
	[tilespmem:s21+$0xFFFFFFF0] =	vst v28;
	v4 =	vld.idx.msk [tilespmem:v29+s3+$0x0], $0xffff  }
0x1f0: {  	v38 =	vadd.s32 s31, v3;
	v37 =	vld.idx.msk [tilespmem:v30+s3+$0x0], $0xffff;
	[tilespmem:s21+$0xFFFFFE50] =	vst v31  }
0x1f1: {  	v39 =	vadd.s32 s24, v2;
	v40 =	vld.idx.msk [tilespmem:v32+s3+$0x0], $0xffff;
	[tilespmem:s30+$0xFFFFFFC0] =	vst v33  }
0x1f2: {  	v50 =	vadd.s32 s23, v0;
	[tilespmem:s30+$0xFFFFFEC0] =	vst v8;
	v42 =	vld.idx.msk [tilespmem:v34+s3+$0x0], $0xffff  }
0x1f3: {  	v44 =	vadd.s32 s25, v2;
	v43 =	vld.idx.msk [tilespmem:v35+s3+$0x0], $0xffff;
	[tilespmem:s30+$0xFFFFFF40] =	vst v6  }
0x1f4: {  	v45 =	vadd.s32 s26, v2;
	v5 =	vld.idx.msk [tilespmem:v36+s3+$0x0], $0xffff;
	[tilespmem:s30+$0xFFFFFE40] =	vst v4  }
0x1f5: {  	v46 =	vadd.s32 s28, v2;
	[tilespmem:s21+$0xFFFFFF60] =	vst v37;
	v3 =	vld.idx.msk [tilespmem:v38+s3+$0x0], $0xffff  }
0x1f6: {  	v48 =	vadd.s32 s31, v2;
	v47 =	vld.idx.msk [tilespmem:v39+s3+$0x0], $0xffff;
	[tilespmem:s21+$0x0] =	vst v40  }
0x1f7: {  	v41 =	vadd.s32 s22, v1;
	v8 =	vld.idx.msk [tilespmem:v50+s3+$0x0], $0xffff;
	[tilespmem:s30+$0xFFFFFFD0] =	vst v42  }
0x1f8: {  	v49 =	vadd.s32 s24, v1;
	[tilespmem:s30+$0xFFFFFED0] =	vst v43;
	v6 =	vld.idx.msk [tilespmem:v44+s3+$0x0], $0xffff  }
0x1f9: {  	v51 =	vadd.s32 s25, v1;
	v9 =	vld.idx.msk [tilespmem:v45+s3+$0x0], $0xffff;
	[tilespmem:s30+$0xFFFFFF50] =	vst v5  }
0x1fa: {  	v52 =	vadd.s32 s26, v1;
	v4 =	vld.idx.msk [tilespmem:v46+s3+$0x0], $0xffff;
	[tilespmem:s30+$0xFFFFFE50] =	vst v3  }
0x1fb: {  	v53 =	vadd.s32 s28, v1;
	[tilespmem:s21+$0xFFFFFE60] =	vst v47;
	v2 =	vld.idx.msk [tilespmem:v48+s3+$0x0], $0xffff  }
0x1fc: {  	v54 =	vadd.s32 s31, v1;
	v7 =	vld.idx.msk [tilespmem:v41+s3+$0x0], $0xffff;
	[tilespmem:s21+$0xFFFFFF00] =	vst v8  }
0x1fd: {  	v55 =	vadd.s32 s22, v0;
	v11 =	vld.idx.msk [tilespmem:v49+s3+$0x0], $0xffff;
	[tilespmem:s30+$0xFFFFFFE0] =	vst v6  }
0x1fe: {  	v56 =	vadd.s32 s24, v0;
	[tilespmem:s30+$0xFFFFFEE0] =	vst v9;
	v57 =	vld.idx.msk [tilespmem:v51+s3+$0x0], $0xffff  }
0x1ff: {  	v58 =	vadd.s32 s25, v0;
	v5 =	vld.idx.msk [tilespmem:v52+s3+$0x0], $0xffff;
	[tilespmem:s30+$0xFFFFFF60] =	vst v4  }
0x200: {  	v59 =	vadd.s32 s26, v0;
	v3 =	vld.idx.msk [tilespmem:v53+s3+$0x0], $0xffff;
	[tilespmem:s30+$0xFFFFFE60] =	vst v2  }
0x201: {  	v60 =	vadd.s32 s28, v0;
	[tilespmem:s21+$0xFFFFFF70] =	vst v7;
	v1 =	vld.idx.msk [tilespmem:v54+s3+$0x0], $0xffff  }
0x202: {  	v61 =	vadd.s32 s31, v0;
	v7 =	vld.idx.msk [tilespmem:v55+s3+$0x0], $0xffff;
	[tilespmem:s21+$0xFFFFFE70] =	vst v11  }
0x203: {  	v6 =	vld.idx.msk [tilespmem:v56+s3+$0x0], $0xffff;
	[tilespmem:s30+$0xFFFFFFF0] =	vst v57  }
0x204: {  	[tilespmem:s30+$0xFFFFFEF0] =	vst v5;
	v62 =	vld.idx.msk [tilespmem:v58+s3+$0x0], $0xffff  }
0x205: {  	[tilespmem:s30+$0xFFFFFF70] =	vst v3;
	v2 =	vld.idx.msk [tilespmem:v59+s3+$0x0], $0xffff  }
0x206: {  	v63 =	vld.idx.msk [tilespmem:v60+s3+$0x0], $0xffff;
	[tilespmem:s30+$0xFFFFFE70] =	vst v1  }
0x207: {  	s19 =	sadd.s32 $0x1, s19;
	[tilespmem:s21+$0xFFFFFF80] =	vst v7;
	v0 =	vld.idx.msk [tilespmem:v61+s3+$0x0], $0xffff  }
0x208: {  	p0 =	sne.s32 s19, $0xC;
	[tilespmem:s21+$0xFFFFFE80] =	vst v6  }
.Ltmp4:
0x209: {  	s31 =	sshll.u32 s20, $0x13;
	[tilespmem:s30+$0x0] =	vst v62;
	(pc) =	sbr.rel @p0 .LBB2_2-.Ltmp4, $4  }
0x20a: {  	s0 =	sor.u32 s4, s31;
	[tilespmem:s30+$0xFFFFFF00] =	vst v2  }
0x20b: {  	s0 =	sshrl.u32 s0, $0x3;
	[tilespmem:s30+$0xFFFFFF80] =	vst v63  }
0x20c: {  	s0 =	sadd.s32 s2, s0;
	[tilespmem:s30+$0xFFFFFE80] =	vst v0  }
0x20d: {  	[hbm4b:s0+s10] =	stream.strided.scatter [tilespmem:s17], [sflag:$0x2], $0x4000, s11, s10, $0x38;
	[tilespmem:$0x19C00] =	vst v63  }
0x20e: {  	_ =	swait.ge [sflag:s14], $0x4000  }
0x20f: {  	[sflag:s14] =	ssyncset.done $0x0  }
0x210: {  	[sflag:s14] =	ssyncadd.s32 $0xFFFFC000  }
0x211: {  	v3 =	vld [tilespmem:$0x11800];
	_ =	sdelay $0x3  }
0x212: {  	s1 =	simm.s32 $0x400  }
0x213: {  	s12 =	simm.s32 $0x800;
	v4 =	vld [tilespmem:$0x11810];
	v0 =	vadd.s32 s1, v3  }
0x214: {  	v5 =	vld [tilespmem:$0x11820];
	v8 =	vadd.s32 s12, v3  }
0x215: {  	v6 =	vld [tilespmem:$0x11830]  }
0x216: {  	v7 =	vld [tilespmem:$0x11840]  }
0x217: {  	s0 =	simm.s32 $0xC00;
	v2 =	vld [tilespmem:$0x11850]  }
0x218: {  	v9 =	vadd.s32 s0, v3;
	v10 =	vld.idx.msk [tilespmem:v0+s3+$0x0], $0xffff  }
0x219: {  	v11 =	vadd.s32 s1, v4;
	v8 =	vld.idx.msk [tilespmem:v8+s3+$0x0], $0xffff  }
0x21a: {  	v13 =	vadd.s32 s12, v4;
	v12 =	vld.idx.msk [tilespmem:v3+s3+$0x0], $0xffff  }
0x21b: {  	v1 =	vld [tilespmem:$0x11860]  }
0x21c: {  	s19 =	simm.s32 $0x11D00;
	v0 =	vld [tilespmem:$0x11870]  }
0x21d: {  	v9 =	vld.idx.msk [tilespmem:v9+s3+$0x0], $0xffff;
	[tilespmem:s19+$0xFFFFFF80] =	vst v10  }
0x21e: {  	v14 =	vadd.s32 s0, v4;
	[tilespmem:s19+$0x0] =	vst v8;
	v10 =	vld.idx.msk [tilespmem:v11+s3+$0x0], $0xffff  }
0x21f: {  	[tilespmem:s19+$0xFFFFFF00] =	vst v12;
	v8 =	vld.idx.msk [tilespmem:v13+s3+$0x0], $0xffff;
	v11 =	vadd.s32 s1, v5  }
0x220: {  	v12 =	vld.idx.msk [tilespmem:v4+s3+$0x0], $0xffff;
	v13 =	vadd.s32 s12, v5;
	_ =	sdelay $0x1  }
0x221: {  	[tilespmem:s19+$0x80] =	vst v9  }
0x222: {  	s21 =	simm.s32 $0x1400;
	v9 =	vld.idx.msk [tilespmem:v14+s3+$0x0], $0xffff;
	[tilespmem:s19+$0xFFFFFF90] =	vst v10  }
0x223: {  	v17 =	vadd.s32 s21, v3;
	[tilespmem:s19+$0x10] =	vst v8;
	v10 =	vld.idx.msk [tilespmem:v11+s3+$0x0], $0xffff  }
0x224: {  	[tilespmem:s19+$0xFFFFFF10] =	vst v12;
	v12 =	vadd.s32 s1, v6;
	v11 =	vld.idx.msk [tilespmem:v13+s3+$0x0], $0xffff  }
0x225: {  	v15 =	vadd.s32 s12, v6;
	v13 =	vld.idx.msk [tilespmem:v5+s3+$0x0], $0xffff  }
0x226: {  	v14 =	vadd.s32 s0, v5  }
0x227: {  	[tilespmem:s19+$0x90] =	vst v9  }
0x228: {  	v17 =	vld.idx.msk [tilespmem:v17+s3+$0x0], $0xffff;
	[tilespmem:s19+$0xFFFFFFA0] =	vst v10  }
0x229: {  	v21 =	vadd.s32 s21, v4;
	[tilespmem:s19+$0x20] =	vst v11;
	v12 =	vld.idx.msk [tilespmem:v12+s3+$0x0], $0xffff  }
0x22a: {  	[tilespmem:s19+$0xFFFFFF20] =	vst v13;
	v13 =	vadd.s32 s1, v7;
	v11 =	vld.idx.msk [tilespmem:v15+s3+$0x0], $0xffff  }
0x22b: {  	s20 =	simm.s32 $0x0;
	v16 =	vadd.s32 s12, v7;
	v8 =	vadd.s32 $0x1000, v3;
	v9 =	vld.idx.msk [tilespmem:v14+s3+$0x0], $0xffff  }
0x22c: {  	s24 =	simm.s32 $0x11F00;
	v14 =	vadd.s32 s20, v8;
	v15 =	vld.idx.msk [tilespmem:v6+s3+$0x0], $0xffff  }
0x22d: {  	s22 =	simm.s32 $0x1800;
	[tilespmem:s24+$0xFFFFFF80] =	vst v17;
	v10 =	vadd.s32 s0, v6  }
0x22e: {  	v21 =	vld.idx.msk [tilespmem:v21+s3+$0x0], $0xffff;
	[tilespmem:s19+$0xFFFFFFB0] =	vst v12;
	v12 =	vadd.s32 s22, v3  }
0x22f: {  	s23 =	simm.s32 $0x1C00;
	[tilespmem:s19+$0x30] =	vst v11;
	v13 =	vld.idx.msk [tilespmem:v13+s3+$0x0], $0xffff  }
0x230: {  	[tilespmem:s19+$0xA0] =	vst v9;
	v11 =	vadd.s32 s23, v3;
	v16 =	vld.idx.msk [tilespmem:v16+s3+$0x0], $0xffff  }
0x231: {  	v14 =	vld.idx.msk [tilespmem:v14+s3+$0x0], $0xffff;
	[tilespmem:s19+$0xFFFFFF30] =	vst v15;
	v15 =	vadd.s32 s1, v2  }
0x232: {  	v19 =	vadd.s32 s12, v2;
	v9 =	vadd.s32 $0x1000, v4;
	v10 =	vld.idx.msk [tilespmem:v10+s3+$0x0], $0xffff  }
0x233: {  	[tilespmem:s24+$0xFFFFFF90] =	vst v21;
	v20 =	vadd.s32 s20, v9;
	v12 =	vld.idx.msk [tilespmem:v12+s3+$0x0], $0xffff  }
0x234: {  	v18 =	vld.idx.msk [tilespmem:v7+s3+$0x0], $0xffff;
	[tilespmem:s19+$0xFFFFFFC0] =	vst v13;
	v13 =	vadd.s32 s22, v4  }
0x235: {  	v11 =	vld.idx.msk [tilespmem:v11+s3+$0x0], $0xffff;
	[tilespmem:s19+$0x40] =	vst v16;
	v16 =	vadd.s32 s0, v7  }
0x236: {  	[tilespmem:s24+$0xFFFFFF00] =	vst v14;
	v14 =	vadd.s32 s23, v4;
	v15 =	vld.idx.msk [tilespmem:v15+s3+$0x0], $0xffff  }
0x237: {  	v17 =	vadd.s32 s1, v1;
	[tilespmem:s19+$0xB0] =	vst v10;
	v19 =	vld.idx.msk [tilespmem:v19+s3+$0x0], $0xffff  }
0x238: {  	v22 =	vadd.s32 s21, v5;
	v20 =	vld.idx.msk [tilespmem:v20+s3+$0x0], $0xffff;
	v10 =	vadd.s32 $0x1000, v5;
	[tilespmem:s24+$0x0] =	vst v12  }
0x239: {  	[tilespmem:s19+$0xFFFFFF40] =	vst v18;
	v18 =	vadd.s32 s20, v10;
	v13 =	vld.idx.msk [tilespmem:v13+s3+$0x0], $0xffff  }
0x23a: {  	v12 =	vadd.s32 s12, v1;
	[tilespmem:s24+$0x80] =	vst v11;
	v11 =	vld.idx.msk [tilespmem:v16+s3+$0x0], $0xffff  }
0x23b: {  	v16 =	vadd.s32 s22, v5;
	v14 =	vld.idx.msk [tilespmem:v14+s3+$0x0], $0xffff;
	[tilespmem:s19+$0xFFFFFFD0] =	vst v15  }
0x23c: {  	[tilespmem:s19+$0x50] =	vst v19;
	v19 =	vadd.s32 s23, v5;
	v15 =	vld.idx.msk [tilespmem:v17+s3+$0x0], $0xffff  }
0x23d: {  	v21 =	vld.idx.msk [tilespmem:v22+s3+$0x0], $0xffff;
	[tilespmem:s24+$0xFFFFFF10] =	vst v20;
	v20 =	vadd.s32 s1, v0  }
0x23e: {  	v18 =	vld.idx.msk [tilespmem:v18+s3+$0x0], $0xffff;
	v17 =	vadd.s32 s0, v2;
	[tilespmem:s24+$0x10] =	vst v13  }
0x23f: {  	v12 =	vld.idx.msk [tilespmem:v12+s3+$0x0], $0xffff;
	[tilespmem:s19+$0xC0] =	vst v11  }
0x240: {  	v22 =	vadd.s32 s12, v0;
	[tilespmem:s24+$0x90] =	vst v14;
	v16 =	vld.idx.msk [tilespmem:v16+s3+$0x0], $0xffff  }
0x241: {  	v11 =	vadd.s32 s21, v6;
	v13 =	vadd.s32 $0x1000, v6;
	v19 =	vld.idx.msk [tilespmem:v19+s3+$0x0], $0xffff;
	[tilespmem:s19+$0xFFFFFFE0] =	vst v15  }
0x242: {  	v24 =	vadd.s32 s20, v13;
	v15 =	vld.idx.msk [tilespmem:v20+s3+$0x0], $0xffff  }
0x243: {  	[tilespmem:s24+$0xFFFFFFA0] =	vst v21;
	v14 =	vld.idx.msk [tilespmem:v17+s3+$0x0], $0xffff;
	v17 =	vadd.s32 s22, v6  }
0x244: {  	v20 =	vld.idx.msk [tilespmem:v2+s3+$0x0], $0xffff;
	[tilespmem:s19+$0x60] =	vst v12;
	v12 =	vadd.s32 s0, v1  }
0x245: {  	s25 =	simm.s32 $0x1000;
	[tilespmem:s24+$0xFFFFFF20] =	vst v18;
	v18 =	vadd.s32 s23, v6;
	v29 =	vld.idx.msk [tilespmem:v22+s3+$0x0], $0xffff  }
0x246: {  	v28 =	vadd.s32 s25, v8;
	v23 =	vld.idx.msk [tilespmem:v11+s3+$0x0], $0xffff;
	[tilespmem:s24+$0x20] =	vst v16  }
0x247: {  	v24 =	vld.idx.msk [tilespmem:v24+s3+$0x0], $0xffff;
	[tilespmem:s19+$0xFFFFFFF0] =	vst v15;
	v15 =	vmov v1  }
0x248: {  	v26 =	vadd.s32 s21, v7;
	v27 =	vadd.s32 s22, v7;
	v22 =	vld.idx.msk [tilespmem:v17+s3+$0x0], $0xffff;
	[tilespmem:s19+$0xD0] =	vst v14  }
0x249: {  	v21 =	vadd.s32 s0, v0;
	v16 =	vadd.s32 $0x1000, v7;
	[tilespmem:s24+$0xA0] =	vst v19;
	v17 =	vadd.s32 $0x1000, v0;
	v19 =	vld.idx.msk [tilespmem:v12+s3+$0x0], $0xffff  }
0x24a: {  	s26 =	simm.s32 $0x2000;
	s1 =	simm.s32 $0x4;
	s0 =	simm.s32 $0x11F00;
	v11 =	vmovc v0;
	v14 =	vadd.s32 $0x1000, v2;
	v25 =	vld.idx.msk [tilespmem:v18+s3+$0x0], $0xffff;
	v18 =	vadd.s32 s20, v17;
	v12 =	vadd.s32 $0x1000, v1;
	[tilespmem:s19+$0x70] =	vst v29  }
.LBB2_12:
0x24b: {  	v28 =	vld.idx.msk [tilespmem:v28+s3+$0x0], $0xffff;
	s13 =	sadd.s32 $0x400, s26;
	s1 =	sadd.s32 $0x4, s1;
	v29 =	vadd.s32 s20, v16;
	v30 =	vadd.s32 s20, v14;
	[tilespmem:s19+$0xFFFFFF50] =	vst v20;
	v20 =	vadd.s32 s20, v12;
	s20 =	smov.u32 s25  }
0x24c: {  	s28 =	sadd.s32 $0x800, s26;
	s25 =	smov.u32 s26;
	v31 =	vadd.s32 s13, v3;
	p0 =	slt.u32 s1, $0x3C;
	[tilespmem:s24+$0xFFFFFFB0] =	vst v23;
	v23 =	vld.idx.msk [tilespmem:v15+s3+$0x0], $0xffff;
	v15 =	vmov v20  }
0x24d: {  	s12 =	sadd.s32 $0xC00, s26;
	v20 =	vadd.s32 s28, v3;
	v26 =	vld.idx.msk [tilespmem:v26+s3+$0x0], $0xffff;
	[tilespmem:s24+$0x30] =	vst v22  }
0x24e: {  	v32 =	vadd.s32 s20, v9;
	v22 =	vadd.s32 s12, v3;
	v27 =	vld.idx.msk [tilespmem:v27+s3+$0x0], $0xffff;
	[tilespmem:s19+$0xE0] =	vst v19  }
0x24f: {  	[tilespmem:s24+$0xFFFFFF30] =	vst v24;
	v19 =	vld.idx.msk [tilespmem:v21+s3+$0x0], $0xffff  }
0x250: {  	v24 =	vadd.s32 s21, v2;
	s24 =	sadd.s32 $0x200, s24;
	v21 =	vld.idx.msk [tilespmem:v29+s3+$0x0], $0xffff;
	[tilespmem:s0+$0xB0] =	vst v25  }
0x251: {  	[tilespmem:s24+$0xFFFFFF00] =	vst v28;
	v25 =	vld.idx.msk [tilespmem:v31+s3+$0x0], $0xffff;
	v28 =	vadd.s32 s22, v2  }
0x252: {  	v20 =	vld.idx.msk [tilespmem:v20+s3+$0x0], $0xffff;
	[tilespmem:s19+$0xFFFFFF60] =	vst v23  }
0x253: {  	v23 =	vadd.s32 s13, v4;
	[tilespmem:s0+$0xFFFFFFC0] =	vst v26;
	v26 =	vld.idx.msk [tilespmem:v11+s3+$0x0], $0xffff;
	v11 =	vmov v18  }
0x254: {  	v18 =	vadd.s32 s28, v4;
	v22 =	vld.idx.msk [tilespmem:v22+s3+$0x0], $0xffff;
	[tilespmem:s0+$0x40] =	vst v27  }
0x255: {  	v27 =	vadd.s32 s23, v7;
	v24 =	vld.idx.msk [tilespmem:v24+s3+$0x0], $0xffff;
	[tilespmem:s19+$0xF0] =	vst v19  }
0x256: {  	v19 =	vadd.s32 s12, v4;
	[tilespmem:s0+$0xFFFFFF40] =	vst v21;
	v21 =	vld.idx.msk [tilespmem:v28+s3+$0x0], $0xffff  }
0x257: {  	v28 =	vld.idx.msk [tilespmem:v32+s3+$0x0], $0xffff;
	[tilespmem:s24+$0xFFFFFF80] =	vst v25;
	v25 =	vadd.s32 s21, v1  }
0x258: {  	v23 =	vld.idx.msk [tilespmem:v23+s3+$0x0], $0xffff;
	[tilespmem:s24+$0x0] =	vst v20;
	v20 =	vadd.s32 s22, v1  }
0x259: {  	v29 =	vadd.s32 s20, v10;
	v18 =	vld.idx.msk [tilespmem:v18+s3+$0x0], $0xffff;
	[tilespmem:s19+$0xFFFFFF70] =	vst v26;
	s19 =	smov.u32 s0;
	s0 =	smov.u32 s24  }
0x25a: {  	v26 =	vadd.s32 s13, v5;
	[tilespmem:s24+$0x80] =	vst v22;
	v22 =	vld.idx.msk [tilespmem:v27+s3+$0x0], $0xffff  }
0x25b: {  	v27 =	vadd.s32 s28, v5;
	v19 =	vld.idx.msk [tilespmem:v19+s3+$0x0], $0xffff;
	[tilespmem:s19+$0xFFFFFFD0] =	vst v24  }
0x25c: {  	v24 =	vld.idx.msk [tilespmem:v25+s3+$0x0], $0xffff;
	[tilespmem:s19+$0x50] =	vst v21;
	v21 =	vadd.s32 s23, v2  }
0x25d: {  	v25 =	vadd.s32 s12, v5;
	[tilespmem:s24+$0xFFFFFF10] =	vst v28;
	v20 =	vld.idx.msk [tilespmem:v20+s3+$0x0], $0xffff  }
0x25e: {  	v28 =	vld.idx.msk [tilespmem:v29+s3+$0x0], $0xffff;
	[tilespmem:s24+$0xFFFFFF90] =	vst v23;
	v23 =	vadd.s32 s21, v0;
	s21 =	smov.u32 s13  }
0x25f: {  	v26 =	vld.idx.msk [tilespmem:v26+s3+$0x0], $0xffff;
	[tilespmem:s24+$0x10] =	vst v18;
	v18 =	vadd.s32 s22, v0;
	s22 =	smov.u32 s28  }
0x260: {  	v29 =	vadd.s32 s20, v13;
	v27 =	vld.idx.msk [tilespmem:v27+s3+$0x0], $0xffff;
	[tilespmem:s19+$0xC0] =	vst v22  }
0x261: {  	v22 =	vadd.s32 s21, v6;
	[tilespmem:s24+$0x90] =	vst v19;
	v19 =	vld.idx.msk [tilespmem:v21+s3+$0x0], $0xffff  }
0x262: {  	v21 =	vadd.s32 s22, v6;
	v25 =	vld.idx.msk [tilespmem:v25+s3+$0x0], $0xffff;
	[tilespmem:s19+$0xFFFFFFE0] =	vst v24  }
0x263: {  	v24 =	vadd.s32 s23, v1;
	v31 =	vld.idx.msk [tilespmem:v23+s3+$0x0], $0xffff;
	[tilespmem:s19+$0x60] =	vst v20  }
0x264: {  	[tilespmem:s24+$0xFFFFFF20] =	vst v28;
	v32 =	vld.idx.msk [tilespmem:v18+s3+$0x0], $0xffff  }
0x265: {  	v18 =	vadd.s32 s12, v6;
	[tilespmem:s24+$0xFFFFFFA0] =	vst v26;
	v20 =	vld.idx.msk [tilespmem:v30+s3+$0x0], $0xffff  }
.Ltmp5:
0x266: {  	v28 =	vadd.s32 s26, v8;
	v23 =	vld.idx.msk [tilespmem:v22+s3+$0x0], $0xffff;
	[tilespmem:s24+$0x20] =	vst v27;
	(pc) =	sbr.rel @p0 .LBB2_12-.Ltmp5, $4  }
0x267: {  	v22 =	vld.idx.msk [tilespmem:v21+s3+$0x0], $0xffff;
	[tilespmem:s19+$0xD0] =	vst v19  }
0x268: {  	v26 =	vadd.s32 s21, v7;
	[tilespmem:s24+$0xA0] =	vst v25;
	v19 =	vld.idx.msk [tilespmem:v24+s3+$0x0], $0xffff  }
0x269: {  	v27 =	vadd.s32 s22, v7;
	v24 =	vld.idx.msk [tilespmem:v29+s3+$0x0], $0xffff;
	[tilespmem:s19+$0xFFFFFFF0] =	vst v31  }
0x26a: {  	s26 =	sadd.s32 $0x1000, s26;
	v21 =	vadd.s32 s23, v0;
	s23 =	smov.u32 s12;
	v25 =	vld.idx.msk [tilespmem:v18+s3+$0x0], $0xffff;
	v18 =	vadd.s32 s20, v17;
	[tilespmem:s19+$0x70] =	vst v32  }
0x26b: {  	_ = 	snop  }
0x26c: {  	v3 =	vadd.s32 s23, v7  }
0x26d: {  	v4 =	vadd.s32 s20, v16  }
0x26e: {  	[tilespmem:s24+$0xFFFFFFB0] =	vst v23  }
0x26f: {  	v5 =	vld.idx.msk [tilespmem:v26+s3+$0x0], $0xffff;
	[tilespmem:s24+$0x30] =	vst v22  }
0x270: {  	v7 =	vadd.s32 s21, v2;
	v6 =	vld.idx.msk [tilespmem:v27+s3+$0x0], $0xffff;
	[tilespmem:s0+$0xB0] =	vst v25  }
0x271: {  	v8 =	vadd.s32 s22, v2;
	[tilespmem:s24+$0xFFFFFF30] =	vst v24;
	v3 =	vld.idx.msk [tilespmem:v3+s3+$0x0], $0xffff  }
0x272: {  	v2 =	vadd.s32 s23, v2;
	v4 =	vld.idx.msk [tilespmem:v4+s3+$0x0], $0xffff  }
0x273: {  	v9 =	vadd.s32 s20, v14  }
0x274: {  	[tilespmem:s0+$0xFFFFFFC0] =	vst v5  }
0x275: {  	[tilespmem:s0+$0x40] =	vst v6;
	v5 =	vld.idx.msk [tilespmem:v7+s3+$0x0], $0xffff  }
0x276: {  	v7 =	vadd.s32 s21, v1;
	v6 =	vld.idx.msk [tilespmem:v8+s3+$0x0], $0xffff;
	[tilespmem:s0+$0xC0] =	vst v3  }
0x277: {  	[tilespmem:s0+$0xFFFFFF40] =	vst v4;
	v3 =	vadd.s32 s22, v1;
	v2 =	vld.idx.msk [tilespmem:v2+s3+$0x0], $0xffff  }
0x278: {  	v1 =	vadd.s32 s23, v1;
	v4 =	vld.idx.msk [tilespmem:v9+s3+$0x0], $0xffff  }
0x279: {  	[tilespmem:s19+$0xFFFFFF50] =	vst v20;
	v8 =	vadd.s32 s20, v12  }
0x27a: {  	v9 =	vld.idx.msk [tilespmem:v15+s3+$0x0], $0xffff;
	[tilespmem:s0+$0xFFFFFFD0] =	vst v5  }
0x27b: {  	v5 =	vld.idx.msk [tilespmem:v7+s3+$0x0], $0xffff;
	[tilespmem:s0+$0x50] =	vst v6  }
0x27c: {  	v6 =	vadd.s32 s21, v0;
	v3 =	vld.idx.msk [tilespmem:v3+s3+$0x0], $0xffff;
	[tilespmem:s0+$0xD0] =	vst v2  }
0x27d: {  	v2 =	vadd.s32 s22, v0;
	[tilespmem:s0+$0xFFFFFF50] =	vst v4;
	v1 =	vld.idx.msk [tilespmem:v1+s3+$0x0], $0xffff  }
0x27e: {  	[tilespmem:s19+$0xE0] =	vst v19;
	v0 =	vadd.s32 s23, v0;
	v4 =	vld.idx.msk [tilespmem:v8+s3+$0x0], $0xffff  }
0x27f: {  	v7 =	vld.idx.msk [tilespmem:v21+s3+$0x0], $0xffff;
	[tilespmem:s19+$0xFFFFFF60] =	vst v9  }
0x280: {  	v8 =	vld.idx.msk [tilespmem:v11+s3+$0x0], $0xffff;
	[tilespmem:s0+$0xFFFFFFE0] =	vst v5  }
0x281: {  	v5 =	vld.idx.msk [tilespmem:v6+s3+$0x0], $0xffff;
	[tilespmem:s0+$0x60] =	vst v3  }
0x282: {  	v2 =	vld.idx.msk [tilespmem:v2+s3+$0x0], $0xffff;
	[tilespmem:s0+$0xE0] =	vst v1  }
0x283: {  	[tilespmem:s0+$0xFFFFFF60] =	vst v4;
	v0 =	vld.idx.msk [tilespmem:v0+s3+$0x0], $0xffff  }
0x284: {  	[tilespmem:s19+$0xF0] =	vst v7;
	v1 =	vld.idx.msk [tilespmem:v18+s3+$0x0], $0xffff  }
0x285: {  	[tilespmem:s19+$0xFFFFFF70] =	vst v8  }
0x286: {  	[tilespmem:s0+$0xFFFFFFF0] =	vst v5  }
0x287: {  	[tilespmem:s0+$0x70] =	vst v2  }
0x288: {  	[tilespmem:s0+$0xF0] =	vst v0  }
0x289: {  	[tilespmem:s0+$0xFFFFFF70] =	vst v1  }
0x28a: {  	v6 =	vld [tilespmem:$0x11880];
	_ =	sdelay $0x3  }
0x28b: {  	s21 =	simm.s32 $0x400  }
0x28c: {  	s26 =	simm.s32 $0xC00;
	v0 =	vadd.s32 s21, v6  }
0x28d: {  	v8 =	vadd.s32 s26, v6  }
0x28e: {  	v7 =	vld [tilespmem:$0x11890]  }
0x28f: {  	v5 =	vld [tilespmem:$0x118A0]  }
0x290: {  	v4 =	vld [tilespmem:$0x118B0]  }
0x291: {  	s20 =	simm.s32 $0x800;
	v9 =	vld.idx.msk [tilespmem:v0+s3+$0x0], $0xffff  }
0x292: {  	v11 =	vadd.s32 s20, v6;
	v8 =	vld.idx.msk [tilespmem:v8+s3+$0x0], $0xffff  }
0x293: {  	v3 =	vld [tilespmem:$0x118C0];
	v10 =	vadd.s32 s21, v7  }
0x294: {  	v2 =	vld [tilespmem:$0x118D0]  }
0x295: {  	s19 =	simm.s32 $0x13DF0;
	v1 =	vld [tilespmem:$0x118E0];
	v12 =	vadd.s32 s26, v7  }
0x296: {  	v0 =	vld [tilespmem:$0x118F0];
	[tilespmem:s19+$0xFFFFFE90] =	vst v9  }
0x297: {  	[tilespmem:s19+$0xFFFFFF90] =	vst v8;
	v8 =	vld.idx.msk [tilespmem:v11+s3+$0x0], $0xffff  }
0x298: {  	v11 =	vadd.s32 s20, v7;
	v9 =	vld.idx.msk [tilespmem:v10+s3+$0x0], $0xffff  }
0x299: {  	v10 =	vadd.s32 s21, v5  }
0x29a: {  	v12 =	vld.idx.msk [tilespmem:v12+s3+$0x0], $0xffff  }
0x29b: {  	s22 =	simm.s32 $0x0;
	v13 =	vadd.s32 s26, v5  }
0x29c: {  	v14 =	vadd.s32 s22, v6;
	[tilespmem:s19+$0xFFFFFF10] =	vst v8  }
0x29d: {  	[tilespmem:s19+$0xFFFFFEA0] =	vst v9;
	v8 =	vld.idx.msk [tilespmem:v11+s3+$0x0], $0xffff  }
0x29e: {  	v9 =	vld.idx.msk [tilespmem:v10+s3+$0x0], $0xffff  }
0x29f: {  	[tilespmem:s19+$0xFFFFFFA0] =	vst v12;
	v12 =	vadd.s32 s20, v5  }
0x2a0: {  	v10 =	vadd.s32 s21, v4;
	v11 =	vld.idx.msk [tilespmem:v13+s3+$0x0], $0xffff  }
0x2a1: {  	v13 =	vld.idx.msk [tilespmem:v14+s3+$0x0], $0xffff;
	v14 =	vadd.s32 s26, v4  }
0x2a2: {  	s23 =	simm.s32 $0x1C00;
	v15 =	vadd.s32 s22, v7;
	[tilespmem:s19+$0xFFFFFF20] =	vst v8  }
0x2a3: {  	s24 =	simm.s32 $0x1400;
	[tilespmem:s19+$0xFFFFFEB0] =	vst v9;
	v9 =	vadd.s32 s23, v6  }
0x2a4: {  	v16 =	vadd.s32 s24, v6;
	v12 =	vld.idx.msk [tilespmem:v12+s3+$0x0], $0xffff  }
0x2a5: {  	[tilespmem:s19+$0xFFFFFFB0] =	vst v11;
	v11 =	vadd.s32 s20, v4;
	v10 =	vld.idx.msk [tilespmem:v10+s3+$0x0], $0xffff  }
0x2a6: {  	v8 =	vadd.s32 s21, v3;
	[tilespmem:s19+$0xFFFFFE10] =	vst v13;
	v13 =	vld.idx.msk [tilespmem:v14+s3+$0x0], $0xffff  }
0x2a7: {  	s25 =	simm.s32 $0x1800;
	v14 =	vld.idx.msk [tilespmem:v15+s3+$0x0], $0xffff;
	v15 =	vadd.s32 s26, v3  }
0x2a8: {  	v17 =	vadd.s32 s25, v6;
	v9 =	vld.idx.msk [tilespmem:v9+s3+$0x0], $0xffff  }
0x2a9: {  	[tilespmem:s19+$0xFFFFFF30] =	vst v12;
	v12 =	vld.idx.msk [tilespmem:v16+s3+$0x0], $0xffff  }
0x2aa: {  	[tilespmem:s19+$0xFFFFFEC0] =	vst v10;
	v10 =	vadd.s32 s22, v5;
	v11 =	vld.idx.msk [tilespmem:v11+s3+$0x0], $0xffff  }
0x2ab: {  	v18 =	vadd.s32 s23, v7;
	[tilespmem:s19+$0xFFFFFFC0] =	vst v13;
	v8 =	vld.idx.msk [tilespmem:v8+s3+$0x0], $0xffff  }
0x2ac: {  	s0 =	simm.s32 $0x13FF0;
	v16 =	vadd.s32 s24, v7;
	[tilespmem:s19+$0xFFFFFE20] =	vst v14;
	v14 =	vld.idx.msk [tilespmem:v15+s3+$0x0], $0xffff  }
0x2ad: {  	v13 =	vadd.s32 s21, v2;
	v15 =	vld.idx.msk [tilespmem:v17+s3+$0x0], $0xffff;
	[tilespmem:s0+$0xFFFFFF90] =	vst v9  }
0x2ae: {  	v17 =	vadd.s32 s25, v7;
	[tilespmem:s0+$0xFFFFFE90] =	vst v12  }
0x2af: {  	v9 =	vld.idx.msk [tilespmem:v10+s3+$0x0], $0xffff;
	v10 =	vadd.s32 s26, v2;
	[tilespmem:s19+$0xFFFFFF40] =	vst v11  }
0x2b0: {  	v18 =	vld.idx.msk [tilespmem:v18+s3+$0x0], $0xffff;
	[tilespmem:s19+$0xFFFFFED0] =	vst v8;
	v8 =	vadd.s32 s22, v4  }
0x2b1: {  	v19 =	vadd.s32 s23, v5;
	v11 =	vld.idx.msk [tilespmem:v16+s3+$0x0], $0xffff;
	[tilespmem:s19+$0xFFFFFFD0] =	vst v14  }
0x2b2: {  	v14 =	vadd.s32 s20, v3;
	[tilespmem:s0+$0xFFFFFF10] =	vst v15;
	v13 =	vld.idx.msk [tilespmem:v13+s3+$0x0], $0xffff  }
0x2b3: {  	v21 =	vadd.s32 s24, v5;
	v12 =	vld.idx.msk [tilespmem:v17+s3+$0x0], $0xffff  }
0x2b4: {  	s29 =	simm.s32 $0x1000;
	v20 =	vadd.s32 s21, v1;
	[tilespmem:s19+$0xFFFFFE30] =	vst v9;
	v16 =	vld.idx.msk [tilespmem:v10+s3+$0x0], $0xffff  }
0x2b5: {  	[tilespmem:s0+$0xFFFFFFA0] =	vst v18;
	v10 =	vadd.s32 s29, v6;
	v15 =	vld.idx.msk [tilespmem:v8+s3+$0x0], $0xffff  }
0x2b6: {  	[tilespmem:s0+$0xFFFFFEA0] =	vst v11;
	v18 =	vadd.s32 s26, v1;
	v11 =	vld.idx.msk [tilespmem:v19+s3+$0x0], $0xffff  }
0x2b7: {  	v17 =	vadd.s32 s22, v3;
	v19 =	vadd.s32 s25, v5;
	v14 =	vld.idx.msk [tilespmem:v14+s3+$0x0], $0xffff  }
0x2b8: {  	s1 =	simm.s32 $0x4;
	s12 =	simm.s32 $0x2C00;
	s28 =	simm.s32 $0x13FF0;
	v9 =	vadd.s32 s29, v7;
	v8 =	vadd.s32 s24, v4;
	[tilespmem:s19+$0xFFFFFEE0] =	vst v13;
	v13 =	vld.idx.msk [tilespmem:v21+s3+$0x0], $0xffff  }
.LBB2_14:
0x2b9: {  	s13 =	sadd.s32 $0xFFFFF400, s12;
	v21 =	vadd.s32 s12, v6;
	s1 =	sadd.s32 $0x4, s1;
	v20 =	vld.idx.msk [tilespmem:v20+s3+$0x0], $0xffff;
	[tilespmem:s19+$0xFFFFFFE0] =	vst v16  }
0x2ba: {  	s7 =	sadd.s32 $0xFFFFF800, s12;
	p0 =	slt.u32 s1, $0x3C;
	v16 =	vld.idx.msk [tilespmem:v10+s3+$0x0], $0xffff;
	v10 =	vadd.s32 s13, v6;
	[tilespmem:s19+$0xFFFFFE40] =	vst v15  }
0x2bb: {  	s5 =	sadd.s32 $0xFFFFFC00, s12;
	v15 =	vadd.s32 s7, v6;
	v22 =	vadd.s32 s7, v4;
	[tilespmem:s0+$0xFFFFFF20] =	vst v12;
	v12 =	vadd.s32 s20, v2;
	v18 =	vld.idx.msk [tilespmem:v18+s3+$0x0], $0xffff  }
0x2bc: {  	v23 =	vadd.s32 s5, v6;
	v19 =	vld.idx.msk [tilespmem:v19+s3+$0x0], $0xffff;
	[tilespmem:s0+$0xFFFFFFB0] =	vst v11  }
0x2bd: {  	[tilespmem:s0+$0xFFFFFEB0] =	vst v13;
	v11 =	vld.idx.msk [tilespmem:v17+s3+$0x0], $0xffff;
	v13 =	vadd.s32 s26, v0;
	s26 =	smov.u32 s23;
	s23 =	smov.u32 s12  }
0x2be: {  	v17 =	vld.idx.msk [tilespmem:v8+s3+$0x0], $0xffff;
	v24 =	vadd.s32 s26, v4;
	[tilespmem:s19+$0xFFFFFF50] =	vst v14;
	v8 =	vmov v22  }
0x2bf: {  	v14 =	vld.idx.msk [tilespmem:v21+s3+$0x0], $0xffff;
	v21 =	vadd.s32 s22, v2;
	[tilespmem:s19+$0xFFFFFEF0] =	vst v20  }
0x2c0: {  	v20 =	vadd.s32 s12, v7;
	[tilespmem:s0+$0xFFFFFE10] =	vst v16;
	v16 =	vadd.s32 s24, v3;
	v12 =	vld.idx.msk [tilespmem:v12+s3+$0x0], $0xffff  }
0x2c1: {  	v22 =	vld.idx.msk [tilespmem:v9+s3+$0x0], $0xffff;
	v9 =	vadd.s32 s13, v7;
	[tilespmem:s19+$0xFFFFFFF0] =	vst v18  }
0x2c2: {  	v18 =	vadd.s32 s7, v7;
	[tilespmem:s0+$0xFFFFFF30] =	vst v19;
	v19 =	vadd.s32 s25, v4;
	v13 =	vld.idx.msk [tilespmem:v13+s3+$0x0], $0xffff  }
0x2c3: {  	v25 =	vadd.s32 s5, v7;
	s0 =	sadd.s32 $0x200, s0;
	v24 =	vld.idx.msk [tilespmem:v24+s3+$0x0], $0xffff;
	[tilespmem:s19+$0xFFFFFE50] =	vst v11  }
0x2c4: {  	[tilespmem:s28+$0xFFFFFEC0] =	vst v17;
	v11 =	vld.idx.msk [tilespmem:v21+s3+$0x0], $0xffff  }
0x2c5: {  	[tilespmem:s0+$0xFFFFFF90] =	vst v14;
	v14 =	vld.idx.msk [tilespmem:v16+s3+$0x0], $0xffff;
	v16 =	vadd.s32 s20, v1  }
0x2c6: {  	v17 =	vadd.s32 s22, v1;
	v15 =	vld.idx.msk [tilespmem:v15+s3+$0x0], $0xffff;
	[tilespmem:s19+$0xFFFFFF60] =	vst v12  }
0x2c7: {  	[tilespmem:s28+$0xFFFFFE20] =	vst v22;
	v12 =	vld.idx.msk [tilespmem:v19+s3+$0x0], $0xffff;
	v19 =	vadd.s32 s26, v3  }
0x2c8: {  	v22 =	vadd.s32 s29, v5;
	v21 =	vld.idx.msk [tilespmem:v23+s3+$0x0], $0xffff;
	[tilespmem:s19+$0x0] =	vst v13  }
0x2c9: {  	v13 =	vld.idx.msk [tilespmem:v20+s3+$0x0], $0xffff;
	v20 =	vadd.s32 s24, v2;
	[tilespmem:s28+$0xFFFFFFC0] =	vst v24  }
0x2ca: {  	[tilespmem:s19+$0xFFFFFE60] =	vst v11;
	v11 =	vadd.s32 s21, v0;
	v16 =	vld.idx.msk [tilespmem:v16+s3+$0x0], $0xffff;
	s21 =	smov.u32 s24;
	s24 =	smov.u32 s7  }
0x2cb: {  	[tilespmem:s28+$0xFFFFFED0] =	vst v14;
	v14 =	vld.idx.msk [tilespmem:v17+s3+$0x0], $0xffff  }
0x2cc: {  	v17 =	vadd.s32 s20, v0;
	s20 =	smov.u32 s25;
	s25 =	smov.u32 s5;
	[tilespmem:s0+$0xFFFFFE90] =	vst v15;
	v15 =	vld.idx.msk [tilespmem:v19+s3+$0x0], $0xffff  }
0x2cd: {  	v19 =	vld.idx.msk [tilespmem:v22+s3+$0x0], $0xffff;
	[tilespmem:s28+$0xFFFFFF40] =	vst v12;
	v12 =	vadd.s32 s22, v0;
	s22 =	smov.u32 s29;
	s29 =	smov.u32 s13  }
0x2ce: {  	[tilespmem:s0+$0xFFFFFF10] =	vst v21;
	v20 =	vld.idx.msk [tilespmem:v20+s3+$0x0], $0xffff;
	v21 =	vadd.s32 s26, v2  }
0x2cf: {  	[tilespmem:s0+$0xFFFFFFA0] =	vst v13;
	v13 =	vadd.s32 s22, v4;
	v11 =	vld.idx.msk [tilespmem:v11+s3+$0x0], $0xffff  }
0x2d0: {  	v18 =	vld.idx.msk [tilespmem:v18+s3+$0x0], $0xffff;
	[tilespmem:s19+$0xFFFFFF70] =	vst v16  }
0x2d1: {  	v22 =	vadd.s32 s12, v5;
	[tilespmem:s19+$0xFFFFFE70] =	vst v14;
	v14 =	vld.idx.msk [tilespmem:v17+s3+$0x0], $0xffff  }
0x2d2: {  	v17 =	vadd.s32 s24, v5;
	[tilespmem:s28+$0xFFFFFFD0] =	vst v15;
	v23 =	vld.idx.msk [tilespmem:v12+s3+$0x0], $0xffff  }
0x2d3: {  	v24 =	vadd.s32 s20, v3;
	[tilespmem:s28+$0xFFFFFE30] =	vst v19;
	v16 =	vld.idx.msk [tilespmem:v21+s3+$0x0], $0xffff  }
.Ltmp6:
0x2d4: {  	v15 =	vld.idx.msk [tilespmem:v13+s3+$0x0], $0xffff;
	[tilespmem:s28+$0xFFFFFEE0] =	vst v20;
	v20 =	vadd.s32 s21, v1;
	(pc) =	sbr.rel @p0 .LBB2_14-.Ltmp6, $4  }
0x2d5: {  	v12 =	vld.idx.msk [tilespmem:v25+s3+$0x0], $0xffff;
	[tilespmem:s19+$0xFFFFFF00] =	vst v11  }
0x2d6: {  	[tilespmem:s0+$0xFFFFFEA0] =	vst v18;
	v11 =	vld.idx.msk [tilespmem:v22+s3+$0x0], $0xffff;
	v18 =	vadd.s32 s26, v1  }
0x2d7: {  	v19 =	vadd.s32 s25, v5;
	v13 =	vld.idx.msk [tilespmem:v17+s3+$0x0], $0xffff;
	[tilespmem:s19+$0xFFFFFF80] =	vst v14  }
0x2d8: {  	s12 =	sadd.s32 $0x1000, s12;
	v17 =	vadd.s32 s22, v3;
	v14 =	vld.idx.msk [tilespmem:v24+s3+$0x0], $0xffff;
	[tilespmem:s19+$0xFFFFFE80] =	vst v23;
	s19 =	smov.u32 s28;
	s28 =	smov.u32 s0  }
0x2d9: {  	_ =	sdelay $0x3  }
0x2da: {  	v6 =	vld.idx.msk [tilespmem:v10+s3+$0x0], $0xffff;
	_ =	sdelay $0x4  }
0x2db: {  	[tilespmem:s0+$0xFFFFFE10] =	vst v6  }
0x2dc: {  	v6 =	vld.idx.msk [tilespmem:v9+s3+$0x0], $0xffff  }
0x2dd: {  	v5 =	vadd.s32 s29, v5  }
0x2de: {  	[tilespmem:s19+$0xFFFFFFE0] =	vst v16  }
0x2df: {  	[tilespmem:s19+$0xFFFFFE40] =	vst v15  }
0x2e0: {  	v7 =	vld.idx.msk [tilespmem:v20+s3+$0x0], $0xffff;
	v25 =	vadd.s32 s23, v4;
	[tilespmem:s0+$0xFFFFFF20] =	vst v12  }
0x2e1: {  	v26 =	vld.idx.msk [tilespmem:v19+s3+$0x0], $0xffff;
	[tilespmem:s28+$0xFFFFFE20] =	vst v6  }
0x2e2: {  	v27 =	vadd.s32 s25, v4;
	[tilespmem:s0+$0xFFFFFFB0] =	vst v11;
	v5 =	vld.idx.msk [tilespmem:v5+s3+$0x0], $0xffff  }
0x2e3: {  	v29 =	vadd.s32 s29, v4;
	v28 =	vld.idx.msk [tilespmem:v18+s3+$0x0], $0xffff;
	[tilespmem:s0+$0xFFFFFEB0] =	vst v13  }
0x2e4: {  	v30 =	vadd.s32 s20, v2;
	v31 =	vld.idx.msk [tilespmem:v17+s3+$0x0], $0xffff;
	[tilespmem:s19+$0xFFFFFF50] =	vst v14  }
0x2e5: {  	v32 =	vadd.s32 s26, v0;
	[tilespmem:s19+$0xFFFFFEF0] =	vst v7;
	v33 =	vld.idx.msk [tilespmem:v25+s3+$0x0], $0xffff  }
0x2e6: {  	v34 =	vadd.s32 s23, v3;
	v8 =	vld.idx.msk [tilespmem:v8+s3+$0x0], $0xffff;
	[tilespmem:s0+$0xFFFFFF30] =	vst v26  }
0x2e7: {  	v35 =	vadd.s32 s24, v3;
	v6 =	vld.idx.msk [tilespmem:v27+s3+$0x0], $0xffff;
	[tilespmem:s28+$0xFFFFFE30] =	vst v5  }
0x2e8: {  	v36 =	vadd.s32 s25, v3;
	[tilespmem:s19+$0xFFFFFFF0] =	vst v28;
	v4 =	vld.idx.msk [tilespmem:v29+s3+$0x0], $0xffff  }
0x2e9: {  	v38 =	vadd.s32 s29, v3;
	v37 =	vld.idx.msk [tilespmem:v30+s3+$0x0], $0xffff;
	[tilespmem:s19+$0xFFFFFE50] =	vst v31  }
0x2ea: {  	v39 =	vadd.s32 s22, v2;
	v40 =	vld.idx.msk [tilespmem:v32+s3+$0x0], $0xffff;
	[tilespmem:s28+$0xFFFFFFC0] =	vst v33  }
0x2eb: {  	v50 =	vadd.s32 s21, v0;
	[tilespmem:s28+$0xFFFFFEC0] =	vst v8;
	v42 =	vld.idx.msk [tilespmem:v34+s3+$0x0], $0xffff  }
0x2ec: {  	v44 =	vadd.s32 s23, v2;
	v43 =	vld.idx.msk [tilespmem:v35+s3+$0x0], $0xffff;
	[tilespmem:s28+$0xFFFFFF40] =	vst v6  }
0x2ed: {  	v45 =	vadd.s32 s24, v2;
	v5 =	vld.idx.msk [tilespmem:v36+s3+$0x0], $0xffff;
	[tilespmem:s28+$0xFFFFFE40] =	vst v4  }
0x2ee: {  	v46 =	vadd.s32 s25, v2;
	[tilespmem:s19+$0xFFFFFF60] =	vst v37;
	v3 =	vld.idx.msk [tilespmem:v38+s3+$0x0], $0xffff  }
0x2ef: {  	v48 =	vadd.s32 s29, v2;
	v47 =	vld.idx.msk [tilespmem:v39+s3+$0x0], $0xffff;
	[tilespmem:s19+$0x0] =	vst v40  }
0x2f0: {  	v41 =	vadd.s32 s20, v1;
	v8 =	vld.idx.msk [tilespmem:v50+s3+$0x0], $0xffff;
	[tilespmem:s28+$0xFFFFFFD0] =	vst v42  }
0x2f1: {  	v49 =	vadd.s32 s22, v1;
	[tilespmem:s28+$0xFFFFFED0] =	vst v43;
	v6 =	vld.idx.msk [tilespmem:v44+s3+$0x0], $0xffff  }
0x2f2: {  	v51 =	vadd.s32 s23, v1;
	v9 =	vld.idx.msk [tilespmem:v45+s3+$0x0], $0xffff;
	[tilespmem:s28+$0xFFFFFF50] =	vst v5  }
0x2f3: {  	v52 =	vadd.s32 s24, v1;
	v4 =	vld.idx.msk [tilespmem:v46+s3+$0x0], $0xffff;
	[tilespmem:s28+$0xFFFFFE50] =	vst v3  }
0x2f4: {  	v53 =	vadd.s32 s25, v1;
	[tilespmem:s19+$0xFFFFFE60] =	vst v47;
	v2 =	vld.idx.msk [tilespmem:v48+s3+$0x0], $0xffff  }
0x2f5: {  	v54 =	vadd.s32 s29, v1;
	v7 =	vld.idx.msk [tilespmem:v41+s3+$0x0], $0xffff;
	[tilespmem:s19+$0xFFFFFF00] =	vst v8  }
0x2f6: {  	v55 =	vadd.s32 s20, v0;
	v11 =	vld.idx.msk [tilespmem:v49+s3+$0x0], $0xffff;
	[tilespmem:s28+$0xFFFFFFE0] =	vst v6  }
0x2f7: {  	v56 =	vadd.s32 s22, v0;
	[tilespmem:s28+$0xFFFFFEE0] =	vst v9;
	v57 =	vld.idx.msk [tilespmem:v51+s3+$0x0], $0xffff  }
0x2f8: {  	v58 =	vadd.s32 s23, v0;
	v5 =	vld.idx.msk [tilespmem:v52+s3+$0x0], $0xffff;
	[tilespmem:s28+$0xFFFFFF60] =	vst v4  }
0x2f9: {  	v59 =	vadd.s32 s24, v0;
	v3 =	vld.idx.msk [tilespmem:v53+s3+$0x0], $0xffff;
	[tilespmem:s28+$0xFFFFFE60] =	vst v2  }
0x2fa: {  	v60 =	vadd.s32 s25, v0;
	[tilespmem:s19+$0xFFFFFF70] =	vst v7;
	v1 =	vld.idx.msk [tilespmem:v54+s3+$0x0], $0xffff  }
0x2fb: {  	v61 =	vadd.s32 s29, v0;
	v7 =	vld.idx.msk [tilespmem:v55+s3+$0x0], $0xffff;
	[tilespmem:s19+$0xFFFFFE70] =	vst v11  }
0x2fc: {  	v6 =	vld.idx.msk [tilespmem:v56+s3+$0x0], $0xffff;
	[tilespmem:s28+$0xFFFFFFF0] =	vst v57  }
0x2fd: {  	[tilespmem:s28+$0xFFFFFEF0] =	vst v5;
	v62 =	vld.idx.msk [tilespmem:v58+s3+$0x0], $0xffff  }
0x2fe: {  	[tilespmem:s28+$0xFFFFFF70] =	vst v3;
	v2 =	vld.idx.msk [tilespmem:v59+s3+$0x0], $0xffff  }
0x2ff: {  	v63 =	vld.idx.msk [tilespmem:v60+s3+$0x0], $0xffff;
	[tilespmem:s28+$0xFFFFFE70] =	vst v1  }
0x300: {  	[tilespmem:s19+$0xFFFFFF80] =	vst v7;
	v0 =	vld.idx.msk [tilespmem:v61+s3+$0x0], $0xffff  }
0x301: {  	[tilespmem:s19+$0xFFFFFE80] =	vst v6  }
0x302: {  	[tilespmem:s28+$0x0] =	vst v62  }
0x303: {  	[tilespmem:s28+$0xFFFFFF00] =	vst v2  }
0x304: {  	[tilespmem:s28+$0xFFFFFF80] =	vst v63  }
0x305: {  	s18 =	sadd.s32 $0x1, s18;
	[tilespmem:s28+$0xFFFFFE80] =	vst v0  }
0x306: {  	[hbm4b:s8+s10] =	stream.strided.scatter [tilespmem:s16], [sflag:$0x1], $0x4000, s11, s10, $0x38;
	[tilespmem:$0x19C00] =	vst v63  }
0x307: {  	p0 =	sne.s32 s18, s9;
	_ =	swait.ge [sflag:s14], $0x4000  }
.Ltmp7:
0x308: {  	[sflag:s14] =	ssyncset.done $0x0;
	(pc) =	sbr.rel @p0 .LBB2_1-.Ltmp7, $4  }
0x309: {  	[sflag:s14] =	ssyncadd.s32 $0xFFFFC000  }
0x30a: {  	_ =	swait.ge [sflag:s15], $0x4000  }
0x30b: {  	[sflag:s15] =	ssyncset.done $0x0  }
0x30c: {  	[sflag:s15] =	ssyncadd.s32 $0xFFFFC000  }
0x30d: {  	_ =	sfence.sel $0x180000  }
0x30e: {  	[bflag:$0x0] =	sbarrier.arrive $0xFFFF  }
0x30f: {  	_ =	strace $0x90000047  }
0x310: {  	s0 =	stileid.u32;
	[bflag:$0x2] =	sbarrier.arrive $0xFFFF  }
0x311: {  	p0 =	sne.s32 s0, $0x0;
	s0 =	rddreg [dreg:$0x3]  }
0x312: {  	s0 =	sadd.s32 @!p0 $0x100000, s0  }
0x313: {  	[sflag:s0] =	ssyncadd.tile.s32 @!p0 $0x1;
	_ =	shalt  }
.Lfunc_end2:
_tile_overlayer_lowered:
.L_overlay_start_2:
0x314: {  	(tag) =	ssettag $0x2  }
0x315: {  	s0 =	rddreg [dreg:$0x0];
	s2 =	stileid.u32  }
0x316: {  	s1 =	rddreg [dreg:$0x1];
	p0 =	sne.s32 s2, $0x0  }
0x317: {  	s3 =	rddreg [dreg:$0x2];
	[bflag:$0x3] =	sbarrier.arrive $0xFFFF;
	s2 =	simm.s32 @!p0 $0x1C03  }
0x318: {  	[timem:s3], [sflag:s2] =	dma.local @!p0 [hbm:s0], s1  }
0x319: {  	s0 =	simm.s32 @!p0 $0x3  }
0x31a: {  	_ =	swait.ge @!p0 [sflag:s0], s1  }
0x31b: {  	s1 =	ssub.s32 @!p0 $0x0, s1;
	[sflag:s0] =	ssyncset.done @!p0 $0x0  }
0x31c: {  	[sflag:s0] =	ssyncadd.s32 @!p0 s1  }
0x31d: {  	[bflag:$0x3] =	sbarrier.arrive $0xFFFF  }
0x31e: {  	_ =	shalt  }

</sc_bundles>
